<compile_context>
chip_gen: v7x
topology: tpu7x:2x2x1
jax: 0.10.2.dev20260603
libtpu: 0.0.44.dev20260713+nightly
codegen_flags: <defaults>
</compile_context>

<pallas_src>
import functools

import jax
import jax.numpy as jnp
from jax import lax
from jax.experimental import pallas as pl
from jax.experimental.pallas import tpu as pltpu, tpu_sc as plsc

_D = 128
_NVOX = _D * _D * _D
_NB = 2
_NTOT = _NB * _NVOX
_NW = 32
_PER_W = _NTOT // _NW
_CH = 1024
_NCH = _PER_W // _CH
_L = 16


def _dim_interp(coord_i, t):
    cf = coord_i.astype(jnp.float32)
    cl = jnp.clip(cf + t, 0.0, 127.0)
    i0 = cl.astype(jnp.int32)
    f0 = i0.astype(jnp.float32)
    d1 = jnp.minimum(f0 + 1.0, 127.0) - cl
    i1 = jnp.minimum(i0 + 1, 127)
    return i0, i1, d1


def _warp_body(img_hbm, trf_hbm, out_hbm, *s):
    tvA, tvB = s[0:3], s[3:6]
    idxA, idxB = s[6:14], s[14:22]
    valA, valB = s[22:30], s[30:38]
    wA, wB = s[38:41], s[41:44]
    outA, outB = s[44], s[45]
    semA, semB = s[46], s[47]
    tsemA, tsemB = s[48], s[49]
    osemA, osemB = s[50], s[51]

    cid = lax.axis_index("c")
    sid = lax.axis_index("s")
    wid = sid * 2 + cid
    g0 = wid * _PER_W
    batch = g0 >> 21
    boff = batch << 21
    e0 = g0 - boff
    iota = lax.iota(jnp.int32, _L)

    def _t_slices(ch):
        prow = ((g0 + ch * _CH) >> 14) * 3
        poff = (e0 + ch * _CH) & 16383
        return [pl.multiple_of((prow + d) * 16384 + poff, 8) for d in range(3)]

    def t_start(ch, tv, tsem):
        for d, off in enumerate(_t_slices(ch)):
            pltpu.async_copy(trf_hbm.at[pl.ds(off, _CH)], tv[d], tsem)

    def t_wait(ch, tv, tsem):
        for d, off in enumerate(_t_slices(ch)):
            pltpu.make_async_copy(trf_hbm.at[pl.ds(off, _CH)], tv[d],
                                  tsem).wait()

    def p1_fire(ch, tv, idxs, ws, vals, sem, tsem):
        ech = e0 + ch * _CH
        t_wait(ch, tv, tsem)

        def pass1(v, c1):
            e = ech + v * _L + iota
            kk = e & 127
            jj = (e >> 7) & 127
            ii = (e >> 14) & 127
            sl = pl.ds(v * _L, _L)
            x0, x1, wx = _dim_interp(ii, tv[0][sl])
            y0, y1, wy = _dim_interp(jj, tv[1][sl])
            z0, z1, wz = _dim_interp(kk, tv[2][sl])
            ws[0][sl] = wx
            ws[1][sl] = wy
            ws[2][sl] = wz
            xa0 = boff + (x0 << 14)
            xa1 = boff + (x1 << 14)
            yb0 = y0 << 7
            yb1 = y1 << 7
            idxs[0][sl] = xa0 + yb0 + z0
            idxs[1][sl] = xa0 + yb0 + z1
            idxs[2][sl] = xa0 + yb1 + z0
            idxs[3][sl] = xa0 + yb1 + z1
            idxs[4][sl] = xa1 + yb0 + z0
            idxs[5][sl] = xa1 + yb0 + z1
            idxs[6][sl] = xa1 + yb1 + z0
            idxs[7][sl] = xa1 + yb1 + z1
            return c1

        lax.fori_loop(0, _CH // _L, pass1, 0)
        for c in range(8):
            pltpu.async_copy(img_hbm.at[idxs[c]], vals[c], sem)

    def drain_blend_store(ch, idxs, ws, vals, outv, sem, osem):
        for c in range(8):
            pltpu.make_async_copy(img_hbm.at[idxs[c]], vals[c], sem).wait()

        @pl.when(ch >= 2)
        def _():
            gprev = g0 + (ch - 2) * _CH
            pltpu.make_async_copy(outv, out_hbm.at[pl.ds(gprev, _CH)],
                                  osem).wait()

        def pass2(v, c2):
            sl = pl.ds(v * _L, _L)
            wx = ws[0][sl]
            wy = ws[1][sl]
            wz = ws[2][sl]
            ux = 1.0 - wx
            uy = 1.0 - wy
            uz = 1.0 - wz
            p00 = wx * wy
            p01 = wx * uy
            p10 = ux * wy
            p11 = ux * uy
            acc = (p00 * wz) * vals[0][sl]
            acc = acc + (p00 * uz) * vals[1][sl]
            acc = acc + (p01 * wz) * vals[2][sl]
            acc = acc + (p01 * uz) * vals[3][sl]
            acc = acc + (p10 * wz) * vals[4][sl]
            acc = acc + (p10 * uz) * vals[5][sl]
            acc = acc + (p11 * wz) * vals[6][sl]
            acc = acc + (p11 * uz) * vals[7][sl]
            outv[sl] = acc
            return c2

        lax.fori_loop(0, _CH // _L, pass2, 0)
        gch = g0 + ch * _CH
        pltpu.async_copy(outv, out_hbm.at[pl.ds(gch, _CH)], osem)

    t_start(0, tvA, tsemA)
    t_start(1, tvB, tsemB)
    p1_fire(0, tvA, idxA, wA, valA, semA, tsemA)
    t_start(2, tvA, tsemA)

    def step(t, carry):
        ch0 = 2 * t
        p1_fire(ch0 + 1, tvB, idxB, wB, valB, semB, tsemB)

        @pl.when(ch0 + 3 < _NCH)
        def _():
            t_start(ch0 + 3, tvB, tsemB)

        drain_blend_store(ch0, idxA, wA, valA, outA, semA, osemA)

        @pl.when(ch0 + 2 < _NCH)
        def _():
            p1_fire(ch0 + 2, tvA, idxA, wA, valA, semA, tsemA)

            @pl.when(ch0 + 4 < _NCH)
            def _():
                t_start(ch0 + 4, tvA, tsemA)

        drain_blend_store(ch0 + 1, idxB, wB, valB, outB, semB, osemB)
        return carry

    lax.fori_loop(0, _NCH // 2, step, 0)

    pltpu.make_async_copy(outA, out_hbm.at[pl.ds(g0 + (_NCH - 2) * _CH, _CH)],
                          osemA).wait()
    pltpu.make_async_copy(outB, out_hbm.at[pl.ds(g0 + (_NCH - 1) * _CH, _CH)],
                          osemB).wait()


_warp = functools.partial(
    pl.kernel,
    out_type=jax.ShapeDtypeStruct((_NTOT,), jnp.float32),
    mesh=plsc.VectorSubcoreMesh(core_axis_name="c", subcore_axis_name="s"),
    compiler_params=pltpu.CompilerParams(needs_layout_passes=False),
    scratch_types=(
        [pltpu.VMEM((_CH,), jnp.float32) for _ in range(6)]
        + [pltpu.VMEM((_CH,), jnp.int32) for _ in range(16)]
        + [pltpu.VMEM((_CH,), jnp.float32) for _ in range(16)]
        + [pltpu.VMEM((_CH,), jnp.float32) for _ in range(6)]
        + [pltpu.VMEM((_CH,), jnp.float32) for _ in range(2)]
        + [pltpu.SemaphoreType.DMA for _ in range(6)]
    ),
)(_warp_body)


@jax.jit
def kernel(img, trf):
    imgf = img.reshape(_NTOT)
    trfp = trf.transpose(0, 1, 4, 2, 3).reshape(_NTOT * 3)
    out = _warp(imgf, trfp)
    return out.reshape(img.shape)

# --- scband reference (transcript-rebuilt; emitter-appended) ---
"""Pipeline reference for scband-spatial-transformer-22565758173896 (READ-ONLY COPY).

The authoritative reference and input builder live on the scoring server;
editing this copy changes nothing except your own understanding.
"""

import jax, jax.numpy as jnp
import numpy as np


def _interp_linear(vol, loc):
    # vol: [D0, D1, D2, C]; loc: [D0, D1, D2, 3] absolute sample locations (ij indexing)
    shape = vol.shape[:-1]
    nd = 3
    max_loc = jnp.array([d - 1 for d in shape], dtype=loc.dtype)
    cl = jnp.clip(loc, 0.0, max_loc)          # fill_value=None -> clamp to edge (nearest)
    loc0 = jnp.floor(cl)
    loc0c = jnp.clip(loc0, 0.0, max_loc)
    loc1c = jnp.clip(loc0 + 1.0, 0.0, max_loc)
    d1 = loc1c - cl                            # weight for the floor corner
    d0 = 1.0 - d1                              # weight for the ceil corner
    loc0i = loc0c.astype(jnp.int32)
    loc1i = loc1c.astype(jnp.int32)
    vol_flat = vol.reshape(-1, vol.shape[-1])
    strides = [shape[1] * shape[2], shape[2], 1]
    out = jnp.zeros(shape + (vol.shape[-1],), dtype=vol.dtype)
    for c in range(2 ** nd):
        bits = [(c >> (nd - 1 - d)) & 1 for d in range(nd)]
        idx = jnp.zeros(shape, dtype=jnp.int32)
        wt = jnp.ones(shape, dtype=vol.dtype)
        for d in range(nd):
            sel = loc1i[..., d] if bits[d] else loc0i[..., d]
            idx = idx + sel * strides[d]
            w = d0[..., d] if bits[d] else d1[..., d]
            wt = wt * w
        vals = jnp.take(vol_flat, idx.reshape(-1), axis=0).reshape(shape + (vol.shape[-1],))
        out = out + wt[..., None] * vals
    return out


def _transform(vol, trf):
    # dense transform: trf holds displacements, add identity grid
    shape = vol.shape[:-1]
    grids = jnp.meshgrid(*[jnp.arange(d, dtype=trf.dtype) for d in shape], indexing='ij')
    grid = jnp.stack(grids, axis=-1)
    loc = grid + trf
    return _interp_linear(vol, loc)


def setup_inputs(seed: int = 0) -> dict:
    key = jax.random.key(seed)
    k1, k2 = jax.random.split(key)
    img = jax.random.normal(k1, (2, 128, 128, 128, 1), dtype=jnp.float32)
    trf = jax.random.normal(k2, (2, 128, 128, 128, 3), dtype=jnp.float32)
    return {"img": img, "trf": trf}


def reference(img, trf):
    # SpatialTransformer.call with a dense warp: per-batch-element transform (map_fn)
    return jax.vmap(_transform)(img, trf)

if __name__ == "__main__":
    import jax
    _d = setup_inputs()
    print(jax.jit(kernel)(*tuple(_d.values())))

</pallas_src>

<mosaic_0001>
#map = affine_map<(d0, d1) -> (0)>
module attributes {stable_mosaic.version = 14 : i64} {
  func.func @_warp_body(%arg0: i32, %arg1: i32, %arg2: memref<4194304xf32, #tpu.memory_space<hbm>>, %arg3: memref<12582912xf32, #tpu.memory_space<hbm>>, %arg4: memref<4194304xf32, #tpu.memory_space<hbm>>, %arg5: memref<1024xf32, #tpu.memory_space<vmem>>, %arg6: memref<1024xf32, #tpu.memory_space<vmem>>, %arg7: memref<1024xf32, #tpu.memory_space<vmem>>, %arg8: memref<1024xf32, #tpu.memory_space<vmem>>, %arg9: memref<1024xf32, #tpu.memory_space<vmem>>, %arg10: memref<1024xf32, #tpu.memory_space<vmem>>, %arg11: memref<1024xi32, #tpu.memory_space<vmem>>, %arg12: memref<1024xi32, #tpu.memory_space<vmem>>, %arg13: memref<1024xi32, #tpu.memory_space<vmem>>, %arg14: memref<1024xi32, #tpu.memory_space<vmem>>, %arg15: memref<1024xi32, #tpu.memory_space<vmem>>, %arg16: memref<1024xi32, #tpu.memory_space<vmem>>, %arg17: memref<1024xi32, #tpu.memory_space<vmem>>, %arg18: memref<1024xi32, #tpu.memory_space<vmem>>, %arg19: memref<1024xi32, #tpu.memory_space<vmem>>, %arg20: memref<1024xi32, #tpu.memory_space<vmem>>, %arg21: memref<1024xi32, #tpu.memory_space<vmem>>, %arg22: memref<1024xi32, #tpu.memory_space<vmem>>, %arg23: memref<1024xi32, #tpu.memory_space<vmem>>, %arg24: memref<1024xi32, #tpu.memory_space<vmem>>, %arg25: memref<1024xi32, #tpu.memory_space<vmem>>, %arg26: memref<1024xi32, #tpu.memory_space<vmem>>, %arg27: memref<1024xf32, #tpu.memory_space<vmem>>, %arg28: memref<1024xf32, #tpu.memory_space<vmem>>, %arg29: memref<1024xf32, #tpu.memory_space<vmem>>, %arg30: memref<1024xf32, #tpu.memory_space<vmem>>, %arg31: memref<1024xf32, #tpu.memory_space<vmem>>, %arg32: memref<1024xf32, #tpu.memory_space<vmem>>, %arg33: memref<1024xf32, #tpu.memory_space<vmem>>, %arg34: memref<1024xf32, #tpu.memory_space<vmem>>, %arg35: memref<1024xf32, #tpu.memory_space<vmem>>, %arg36: memref<1024xf32, #tpu.memory_space<vmem>>, %arg37: memref<1024xf32, #tpu.memory_space<vmem>>, %arg38: memref<1024xf32, #tpu.memory_space<vmem>>, %arg39: memref<1024xf32, #tpu.memory_space<vmem>>, %arg40: memref<1024xf32, #tpu.memory_space<vmem>>, %arg41: memref<1024xf32, #tpu.memory_space<vmem>>, %arg42: memref<1024xf32, #tpu.memory_space<vmem>>, %arg43: memref<1024xf32, #tpu.memory_space<vmem>>, %arg44: memref<1024xf32, #tpu.memory_space<vmem>>, %arg45: memref<1024xf32, #tpu.memory_space<vmem>>, %arg46: memref<1024xf32, #tpu.memory_space<vmem>>, %arg47: memref<1024xf32, #tpu.memory_space<vmem>>, %arg48: memref<1024xf32, #tpu.memory_space<vmem>>, %arg49: memref<1024xf32, #tpu.memory_space<vmem>>, %arg50: memref<1024xf32, #tpu.memory_space<vmem>>, %arg51: memref<!tpu.dma_semaphore, #tpu.memory_space<semaphore_mem>>, %arg52: memref<!tpu.dma_semaphore, #tpu.memory_space<semaphore_mem>>, %arg53: memref<!tpu.dma_semaphore, #tpu.memory_space<semaphore_mem>>, %arg54: memref<!tpu.dma_semaphore, #tpu.memory_space<semaphore_mem>>, %arg55: memref<!tpu.dma_semaphore, #tpu.memory_space<semaphore_mem>>, %arg56: memref<!tpu.dma_semaphore, #tpu.memory_space<semaphore_mem>>) attributes {dimension_semantics = [#tpu.dimension_semantics<core_parallel>, #tpu.dimension_semantics<subcore_parallel>], iteration_bounds = array<i64: 2, 16>, scalar_prefetch = 0 : i64, scratch_operands = 52 : i64, tpu.core_type = #tpu.core_type<sc_vector_subcore>, window_params = [{transform_indices = #map}, {transform_indices = #map}, {transform_indices = #map}]} {
    %mul3A = arith.constant 2 : i32
    %mul3A_0 = arith.muli %arg1, %mul3A : i32
    %add3A = arith.addi %mul3A_0, %arg0 : i32
    %mul3A_1 = arith.constant 131072 : i32
    %mul3A_2 = arith.muli %add3A, %mul3A_1 : i32
    %shift_right_arithmetic3A = arith.constant 21 : i32
    %shift_right_arithmetic3A_3 = arith.shrsi %mul3A_2, %shift_right_arithmetic3A : i32
    %shift_left3A = arith.constant 21 : i32
    %shift_left3A_4 = arith.shli %shift_right_arithmetic3A_3, %shift_left3A : i32
    %sub3A = arith.subi %mul3A_2, %shift_left3A_4 : i32
    %iota3A = tpu.iota {dimensions = array<i32: 0>} : vector<16xi32>
    %add3A_5 = arith.constant 0 : i32
    %add3A_6 = arith.addi %mul3A_2, %add3A_5 : i32
    %shift_right_arithmetic3A_7 = arith.constant 14 : i32
    %shift_right_arithmetic3A_8 = arith.shrsi %add3A_6, %shift_right_arithmetic3A_7 : i32
    %mul3A_9 = arith.constant 3 : i32
    %mul3A_10 = arith.muli %shift_right_arithmetic3A_8, %mul3A_9 : i32
    %add3A_11 = arith.constant 0 : i32
    %add3A_12 = arith.addi %sub3A, %add3A_11 : i32
    %and3A = arith.constant 16383 : i32
    %and3A_13 = arith.andi %add3A_12, %and3A : i32
    %add3A_14 = arith.constant 0 : i32
    %add3A_15 = arith.addi %mul3A_10, %add3A_14 : i32
    %mul3A_16 = arith.constant 16384 : i32
    %mul3A_17 = arith.muli %add3A_15, %mul3A_16 : i32
    %add3A_18 = arith.addi %mul3A_17, %and3A_13 : i32
    %multiple_of3A = tpu.assume_multiple %add3A_18, 8 : i32
    %add3A_19 = arith.constant 1 : i32
    %add3A_20 = arith.addi %mul3A_10, %add3A_19 : i32
    %mul3A_21 = arith.constant 16384 : i32
    %mul3A_22 = arith.muli %add3A_20, %mul3A_21 : i32
    %add3A_23 = arith.addi %mul3A_22, %and3A_13 : i32
    %multiple_of3A_24 = tpu.assume_multiple %add3A_23, 8 : i32
    %add3A_25 = arith.constant 2 : i32
    %add3A_26 = arith.addi %mul3A_10, %add3A_25 : i32
    %mul3A_27 = arith.constant 16384 : i32
    %mul3A_28 = arith.muli %add3A_26, %mul3A_27 : i32
    %add3A_29 = arith.addi %mul3A_28, %and3A_13 : i32
    %multiple_of3A_30 = tpu.assume_multiple %add3A_29, 8 : i32
    %dma_start3A = tpu.memref_slice %arg3[%multiple_of3A] : memref<12582912xf32, #tpu.memory_space<hbm>> -> memref<1024xf32, #tpu.memory_space<hbm>>
    %dma_start3A_31 = tpu.memref_slice %arg3[%multiple_of3A] : memref<12582912xf32, #tpu.memory_space<hbm>> -> memref<1024xf32, #tpu.memory_space<hbm>>
    tpu.enqueue_dma source(%dma_start3A_31 : memref<1024xf32, #tpu.memory_space<hbm>>) target(%arg5 : memref<1024xf32, #tpu.memory_space<vmem>>) target_semaphore(%arg53 : memref<!tpu.dma_semaphore, #tpu.memory_space<semaphore_mem>>)
    %dma_start3A_32 = tpu.memref_slice %arg3[%multiple_of3A_24] : memref<12582912xf32, #tpu.memory_space<hbm>> -> memref<1024xf32, #tpu.memory_space<hbm>>
    %dma_start3A_33 = tpu.memref_slice %arg3[%multiple_of3A_24] : memref<12582912xf32, #tpu.memory_space<hbm>> -> memref<1024xf32, #tpu.memory_space<hbm>>
    tpu.enqueue_dma source(%dma_start3A_33 : memref<1024xf32, #tpu.memory_space<hbm>>) target(%arg6 : memref<1024xf32, #tpu.memory_space<vmem>>) target_semaphore(%arg53 : memref<!tpu.dma_semaphore, #tpu.memory_space<semaphore_mem>>)
    %dma_start3A_34 = tpu.memref_slice %arg3[%multiple_of3A_30] : memref<12582912xf32, #tpu.memory_space<hbm>> -> memref<1024xf32, #tpu.memory_space<hbm>>
    %dma_start3A_35 = tpu.memref_slice %arg3[%multiple_of3A_30] : memref<12582912xf32, #tpu.memory_space<hbm>> -> memref<1024xf32, #tpu.memory_space<hbm>>
    tpu.enqueue_dma source(%dma_start3A_35 : memref<1024xf32, #tpu.memory_space<hbm>>) target(%arg7 : memref<1024xf32, #tpu.memory_space<vmem>>) target_semaphore(%arg53 : memref<!tpu.dma_semaphore, #tpu.memory_space<semaphore_mem>>)
    %add3A_36 = arith.constant 1024 : i32
    %add3A_37 = arith.addi %mul3A_2, %add3A_36 : i32
    %shift_right_arithmetic3A_38 = arith.constant 14 : i32
    %shift_right_arithmetic3A_39 = arith.shrsi %add3A_37, %shift_right_arithmetic3A_38 : i32
    %mul3A_40 = arith.constant 3 : i32
    %mul3A_41 = arith.muli %shift_right_arithmetic3A_39, %mul3A_40 : i32
    %add3A_42 = arith.constant 1024 : i32
    %add3A_43 = arith.addi %sub3A, %add3A_42 : i32
    %and3A_44 = arith.constant 16383 : i32
    %and3A_45 = arith.andi %add3A_43, %and3A_44 : i32
    %add3A_46 = arith.constant 0 : i32
    %add3A_47 = arith.addi %mul3A_41, %add3A_46 : i32
    %mul3A_48 = arith.constant 16384 : i32
    %mul3A_49 = arith.muli %add3A_47, %mul3A_48 : i32
    %add3A_50 = arith.addi %mul3A_49, %and3A_45 : i32
    %multiple_of3A_51 = tpu.assume_multiple %add3A_50, 8 : i32
    %add3A_52 = arith.constant 1 : i32
    %add3A_53 = arith.addi %mul3A_41, %add3A_52 : i32
    %mul3A_54 = arith.constant 16384 : i32
    %mul3A_55 = arith.muli %add3A_53, %mul3A_54 : i32
    %add3A_56 = arith.addi %mul3A_55, %and3A_45 : i32
    %multiple_of3A_57 = tpu.assume_multiple %add3A_56, 8 : i32
    %add3A_58 = arith.constant 2 : i32
    %add3A_59 = arith.addi %mul3A_41, %add3A_58 : i32
    %mul3A_60 = arith.constant 16384 : i32
    %mul3A_61 = arith.muli %add3A_59, %mul3A_60 : i32
    %add3A_62 = arith.addi %mul3A_61, %and3A_45 : i32
    %multiple_of3A_63 = tpu.assume_multiple %add3A_62, 8 : i32
    %dma_start3A_64 = tpu.memref_slice %arg3[%multiple_of3A_51] : memref<12582912xf32, #tpu.memory_space<hbm>> -> memref<1024xf32, #tpu.memory_space<hbm>>
    %dma_start3A_65 = tpu.memref_slice %arg3[%multiple_of3A_51] : memref<12582912xf32, #tpu.memory_space<hbm>> -> memref<1024xf32, #tpu.memory_space<hbm>>
    tpu.enqueue_dma source(%dma_start3A_65 : memref<1024xf32, #tpu.memory_space<hbm>>) target(%arg8 : memref<1024xf32, #tpu.memory_space<vmem>>) target_semaphore(%arg54 : memref<!tpu.dma_semaphore, #tpu.memory_space<semaphore_mem>>)
    %dma_start3A_66 = tpu.memref_slice %arg3[%multiple_of3A_57] : memref<12582912xf32, #tpu.memory_space<hbm>> -> memref<1024xf32, #tpu.memory_space<hbm>>
    %dma_start3A_67 = tpu.memref_slice %arg3[%multiple_of3A_57] : memref<12582912xf32, #tpu.memory_space<hbm>> -> memref<1024xf32, #tpu.memory_space<hbm>>
    tpu.enqueue_dma source(%dma_start3A_67 : memref<1024xf32, #tpu.memory_space<hbm>>) target(%arg9 : memref<1024xf32, #tpu.memory_space<vmem>>) target_semaphore(%arg54 : memref<!tpu.dma_semaphore, #tpu.memory_space<semaphore_mem>>)
    %dma_start3A_68 = tpu.memref_slice %arg3[%multiple_of3A_63] : memref<12582912xf32, #tpu.memory_space<hbm>> -> memref<1024xf32, #tpu.memory_space<hbm>>
    %dma_start3A_69 = tpu.memref_slice %arg3[%multiple_of3A_63] : memref<12582912xf32, #tpu.memory_space<hbm>> -> memref<1024xf32, #tpu.memory_space<hbm>>
    tpu.enqueue_dma source(%dma_start3A_69 : memref<1024xf32, #tpu.memory_space<hbm>>) target(%arg10 : memref<1024xf32, #tpu.memory_space<vmem>>) target_semaphore(%arg54 : memref<!tpu.dma_semaphore, #tpu.memory_space<semaphore_mem>>)
    %add3A_70 = arith.constant 0 : i32
    %add3A_71 = arith.addi %sub3A, %add3A_70 : i32
    %add3A_72 = arith.constant 0 : i32
    %add3A_73 = arith.addi %mul3A_2, %add3A_72 : i32
    %shift_right_arithmetic3A_74 = arith.constant 14 : i32
    %shift_right_arithmetic3A_75 = arith.shrsi %add3A_73, %shift_right_arithmetic3A_74 : i32
    %mul3A_76 = arith.constant 3 : i32
    %mul3A_77 = arith.muli %shift_right_arithmetic3A_75, %mul3A_76 : i32
    %add3A_78 = arith.constant 0 : i32
    %add3A_79 = arith.addi %sub3A, %add3A_78 : i32
    %and3A_80 = arith.constant 16383 : i32
    %and3A_81 = arith.andi %add3A_79, %and3A_80 : i32
    %add3A_82 = arith.constant 0 : i32
    %add3A_83 = arith.addi %mul3A_77, %add3A_82 : i32
    %mul3A_84 = arith.constant 16384 : i32
    %mul3A_85 = arith.muli %add3A_83, %mul3A_84 : i32
    %add3A_86 = arith.addi %mul3A_85, %and3A_81 : i32
    %multiple_of3A_87 = tpu.assume_multiple %add3A_86, 8 : i32
    %add3A_88 = arith.constant 1 : i32
    %add3A_89 = arith.addi %mul3A_77, %add3A_88 : i32
    %mul3A_90 = arith.constant 16384 : i32
    %mul3A_91 = arith.muli %add3A_89, %mul3A_90 : i32
    %add3A_92 = arith.addi %mul3A_91, %and3A_81 : i32
    %multiple_of3A_93 = tpu.assume_multiple %add3A_92, 8 : i32
    %add3A_94 = arith.constant 2 : i32
    %add3A_95 = arith.addi %mul3A_77, %add3A_94 : i32
    %mul3A_96 = arith.constant 16384 : i32
    %mul3A_97 = arith.muli %add3A_95, %mul3A_96 : i32
    %add3A_98 = arith.addi %mul3A_97, %and3A_81 : i32
    %multiple_of3A_99 = tpu.assume_multiple %add3A_98, 8 : i32
    %dma_wait3A = tpu.memref_slice %arg3[%multiple_of3A_87] : memref<12582912xf32, #tpu.memory_space<hbm>> -> memref<1024xf32, #tpu.memory_space<hbm>>
    %dma_wait3A_100 = tpu.memref_slice %arg3[%multiple_of3A_87] : memref<12582912xf32, #tpu.memory_space<hbm>> -> memref<1024xf32, #tpu.memory_space<hbm>>
    tpu.wait_dma2 semaphore(%arg53 : memref<!tpu.dma_semaphore, #tpu.memory_space<semaphore_mem>>) src(%dma_wait3A_100 : memref<1024xf32, #tpu.memory_space<hbm>>) dst(%arg5 : memref<1024xf32, #tpu.memory_space<vmem>>)
    %dma_wait3A_101 = tpu.memref_slice %arg3[%multiple_of3A_93] : memref<12582912xf32, #tpu.memory_space<hbm>> -> memref<1024xf32, #tpu.memory_space<hbm>>
    %dma_wait3A_102 = tpu.memref_slice %arg3[%multiple_of3A_93] : memref<12582912xf32, #tpu.memory_space<hbm>> -> memref<1024xf32, #tpu.memory_space<hbm>>
    tpu.wait_dma2 semaphore(%arg53 : memref<!tpu.dma_semaphore, #tpu.memory_space<semaphore_mem>>) src(%dma_wait3A_102 : memref<1024xf32, #tpu.memory_space<hbm>>) dst(%arg6 : memref<1024xf32, #tpu.memory_space<vmem>>)
    %dma_wait3A_103 = tpu.memref_slice %arg3[%multiple_of3A_99] : memref<12582912xf32, #tpu.memory_space<hbm>> -> memref<1024xf32, #tpu.memory_space<hbm>>
    %dma_wait3A_104 = tpu.memref_slice %arg3[%multiple_of3A_99] : memref<12582912xf32, #tpu.memory_space<hbm>> -> memref<1024xf32, #tpu.memory_space<hbm>>
    tpu.wait_dma2 semaphore(%arg53 : memref<!tpu.dma_semaphore, #tpu.memory_space<semaphore_mem>>) src(%dma_wait3A_104 : memref<1024xf32, #tpu.memory_space<hbm>>) dst(%arg7 : memref<1024xf32, #tpu.memory_space<vmem>>)
    %scan3A = arith.constant 0 : i32
    %scan3A_105 = arith.constant 0 : i32
    %scan3A_106 = arith.constant 64 : i32
    %scan3A_107 = arith.addi %scan3A_105, %scan3A_106 : i32
    %scan3A_108 = arith.constant 1 : i32
    scf.for %scan3A_174 = %scan3A_105 to %scan3A_107 step %scan3A_108  : i32 {
      %mul3A_175 = arith.constant 16 : i32
      %mul3A_176 = arith.muli %scan3A_174, %mul3A_175 : i32
      %add3A_177 = arith.addi %add3A_71, %mul3A_176 : i32
      %add3A_178 = vector.broadcast %add3A_177 : i32 to vector<16xi32>
      %add3A_179 = arith.addi %add3A_178, %iota3A : vector<16xi32>
      %and3A_180 = arith.constant 127 : i32
      %and3A_181 = vector.broadcast %and3A_180 : i32 to vector<16xi32>
      %and3A_182 = arith.andi %add3A_179, %and3A_181 : vector<16xi32>
      %shift_right_arithmetic3A_183 = arith.constant 7 : i32
      %shift_right_arithmetic3A_184 = vector.broadcast %shift_right_arithmetic3A_183 : i32 to vector<16xi32>
      %shift_right_arithmetic3A_185 = arith.shrsi %add3A_179, %shift_right_arithmetic3A_184 : vector<16xi32>
      %and3A_186 = arith.constant 127 : i32
      %and3A_187 = vector.broadcast %and3A_186 : i32 to vector<16xi32>
      %and3A_188 = arith.andi %shift_right_arithmetic3A_185, %and3A_187 : vector<16xi32>
      %shift_right_arithmetic3A_189 = arith.constant 14 : i32
      %shift_right_arithmetic3A_190 = vector.broadcast %shift_right_arithmetic3A_189 : i32 to vector<16xi32>
      %shift_right_arithmetic3A_191 = arith.shrsi %add3A_179, %shift_right_arithmetic3A_190 : vector<16xi32>
      %and3A_192 = arith.constant 127 : i32
      %and3A_193 = vector.broadcast %and3A_192 : i32 to vector<16xi32>
      %and3A_194 = arith.andi %shift_right_arithmetic3A_191, %and3A_193 : vector<16xi32>
      %mul3A_195 = arith.constant 16 : i32
      %mul3A_196 = arith.muli %scan3A_174, %mul3A_195 : i32
      %get3A = arith.index_cast %mul3A_196 : i32 to index
      %get3A_197 = tpu.vector_load %arg5[%get3A] {strides = array<i32>} : memref<1024xf32, #tpu.memory_space<vmem>>, vector<16xf32>,
      %convert_element_type3A = arith.sitofp %and3A_194 : vector<16xi32> to vector<16xf32>
      %add3A_198 = arith.addf %convert_element_type3A, %get3A_197 : vector<16xf32>
      %jit3A = arith.constant 0.000000e+00 : f32
      %jit3A_199 = arith.constant 1.270000e+02 : f32
      %max3A = vector.broadcast %jit3A : f32 to vector<16xf32>
      %max3A_200 = arith.maximumf %max3A, %add3A_198 : vector<16xf32>
      %min3A = vector.broadcast %jit3A_199 : f32 to vector<16xf32>
      %min3A_201 = arith.minimumf %min3A, %max3A_200 : vector<16xf32>
      %convert_element_type3A_202 = arith.fptosi %min3A_201 : vector<16xf32> to vector<16xi32>
      %convert_element_type3A_203 = arith.sitofp %convert_element_type3A_202 : vector<16xi32> to vector<16xf32>
      %add3A_204 = arith.constant 1.000000e+00 : f32
      %add3A_205 = vector.broadcast %add3A_204 : f32 to vector<16xf32>
      %add3A_206 = arith.addf %convert_element_type3A_203, %add3A_205 : vector<16xf32>
      %min3A_207 = arith.constant 1.270000e+02 : f32
      %min3A_208 = vector.broadcast %min3A_207 : f32 to vector<16xf32>
      %min3A_209 = arith.minimumf %add3A_206, %min3A_208 : vector<16xf32>
      %sub3A_210 = arith.subf %min3A_209, %min3A_201 : vector<16xf32>
      %add3A_211 = arith.constant 1 : i32
      %add3A_212 = vector.broadcast %add3A_211 : i32 to vector<16xi32>
      %add3A_213 = arith.addi %convert_element_type3A_202, %add3A_212 : vector<16xi32>
      %min3A_214 = arith.constant 127 : i32
      %min3A_215 = vector.broadcast %min3A_214 : i32 to vector<16xi32>
      %min3A_216 = arith.minsi %add3A_213, %min3A_215 : vector<16xi32>
      %get3A_217 = arith.index_cast %mul3A_196 : i32 to index
      %get3A_218 = tpu.vector_load %arg6[%get3A_217] {strides = array<i32>} : memref<1024xf32, #tpu.memory_space<vmem>>, vector<16xf32>,
      %convert_element_type3A_219 = arith.sitofp %and3A_188 : vector<16xi32> to vector<16xf32>
      %add3A_220 = arith.addf %convert_element_type3A_219, %get3A_218 : vector<16xf32>
      %jit3A_221 = arith.constant 0.000000e+00 : f32
      %jit3A_222 = arith.constant 1.270000e+02 : f32
      %max3A_223 = vector.broadcast %jit3A_221 : f32 to vector<16xf32>
      %max3A_224 = arith.maximumf %max3A_223, %add3A_220 : vector<16xf32>
      %min3A_225 = vector.broadcast %jit3A_222 : f32 to vector<16xf32>
      %min3A_226 = arith.minimumf %min3A_225, %max3A_224 : vector<16xf32>
      %convert_element_type3A_227 = arith.fptosi %min3A_226 : vector<16xf32> to vector<16xi32>
      %convert_element_type3A_228 = arith.sitofp %convert_element_type3A_227 : vector<16xi32> to vector<16xf32>
      %add3A_229 = arith.constant 1.000000e+00 : f32
      %add3A_230 = vector.broadcast %add3A_229 : f32 to vector<16xf32>
      %add3A_231 = arith.addf %convert_element_type3A_228, %add3A_230 : vector<16xf32>
      %min3A_232 = arith.constant 1.270000e+02 : f32
      %min3A_233 = vector.broadcast %min3A_232 : f32 to vector<16xf32>
      %min3A_234 = arith.minimumf %add3A_231, %min3A_233 : vector<16xf32>
      %sub3A_235 = arith.subf %min3A_234, %min3A_226 : vector<16xf32>
      %add3A_236 = arith.constant 1 : i32
      %add3A_237 = vector.broadcast %add3A_236 : i32 to vector<16xi32>
      %add3A_238 = arith.addi %convert_element_type3A_227, %add3A_237 : vector<16xi32>
      %min3A_239 = arith.constant 127 : i32
      %min3A_240 = vector.broadcast %min3A_239 : i32 to vector<16xi32>
      %min3A_241 = arith.minsi %add3A_238, %min3A_240 : vector<16xi32>
      %get3A_242 = arith.index_cast %mul3A_196 : i32 to index
      %get3A_243 = tpu.vector_load %arg7[%get3A_242] {strides = array<i32>} : memref<1024xf32, #tpu.memory_space<vmem>>, vector<16xf32>,
      %convert_element_type3A_244 = arith.sitofp %and3A_182 : vector<16xi32> to vector<16xf32>
      %add3A_245 = arith.addf %convert_element_type3A_244, %get3A_243 : vector<16xf32>
      %jit3A_246 = arith.constant 0.000000e+00 : f32
      %jit3A_247 = arith.constant 1.270000e+02 : f32
      %max3A_248 = vector.broadcast %jit3A_246 : f32 to vector<16xf32>
      %max3A_249 = arith.maximumf %max3A_248, %add3A_245 : vector<16xf32>
      %min3A_250 = vector.broadcast %jit3A_247 : f32 to vector<16xf32>
      %min3A_251 = arith.minimumf %min3A_250, %max3A_249 : vector<16xf32>
      %convert_element_type3A_252 = arith.fptosi %min3A_251 : vector<16xf32> to vector<16xi32>
      %convert_element_type3A_253 = arith.sitofp %convert_element_type3A_252 : vector<16xi32> to vector<16xf32>
      %add3A_254 = arith.constant 1.000000e+00 : f32
      %add3A_255 = vector.broadcast %add3A_254 : f32 to vector<16xf32>
      %add3A_256 = arith.addf %convert_element_type3A_253, %add3A_255 : vector<16xf32>
      %min3A_257 = arith.constant 1.270000e+02 : f32
      %min3A_258 = vector.broadcast %min3A_257 : f32 to vector<16xf32>
      %min3A_259 = arith.minimumf %add3A_256, %min3A_258 : vector<16xf32>
      %sub3A_260 = arith.subf %min3A_259, %min3A_251 : vector<16xf32>
      %add3A_261 = arith.constant 1 : i32
      %add3A_262 = vector.broadcast %add3A_261 : i32 to vector<16xi32>
      %add3A_263 = arith.addi %convert_element_type3A_252, %add3A_262 : vector<16xi32>
      %min3A_264 = arith.constant 127 : i32
      %min3A_265 = vector.broadcast %min3A_264 : i32 to vector<16xi32>
      %min3A_266 = arith.minsi %add3A_263, %min3A_265 : vector<16xi32>
      %swap3A = arith.index_cast %mul3A_196 : i32 to index
      %swap3A_267 = tpu.vector_load %arg43[%swap3A] {strides = array<i32>} : memref<1024xf32, #tpu.memory_space<vmem>>, vector<16xf32>,
      tpu.vector_store %arg43[%swap3A], %sub3A_210 {strides = array<i32>} : memref<1024xf32, #tpu.memory_space<vmem>>, vector<16xf32>,
      %swap3A_268 = arith.index_cast %mul3A_196 : i32 to index
      %swap3A_269 = tpu.vector_load %arg44[%swap3A_268] {strides = array<i32>} : memref<1024xf32, #tpu.memory_space<vmem>>, vector<16xf32>,
      tpu.vector_store %arg44[%swap3A_268], %sub3A_235 {strides = array<i32>} : memref<1024xf32, #tpu.memory_space<vmem>>, vector<16xf32>,
      %swap3A_270 = arith.index_cast %mul3A_196 : i32 to index
      %swap3A_271 = tpu.vector_load %arg45[%swap3A_270] {strides = array<i32>} : memref<1024xf32, #tpu.memory_space<vmem>>, vector<16xf32>,
      tpu.vector_store %arg45[%swap3A_270], %sub3A_260 {strides = array<i32>} : memref<1024xf32, #tpu.memory_space<vmem>>, vector<16xf32>,
      %shift_left3A_272 = arith.constant 14 : i32
      %shift_left3A_273 = vector.broadcast %shift_left3A_272 : i32 to vector<16xi32>
      %shift_left3A_274 = arith.shli %convert_element_type3A_202, %shift_left3A_273 : vector<16xi32>
      %add3A_275 = vector.broadcast %shift_left3A_4 : i32 to vector<16xi32>
      %add3A_276 = arith.addi %add3A_275, %shift_left3A_274 : vector<16xi32>
      %shift_left3A_277 = arith.constant 14 : i32
      %shift_left3A_278 = vector.broadcast %shift_left3A_277 : i32 to vector<16xi32>
      %shift_left3A_279 = arith.shli %min3A_216, %shift_left3A_278 : vector<16xi32>
      %add3A_280 = vector.broadcast %shift_left3A_4 : i32 to vector<16xi32>
      %add3A_281 = arith.addi %add3A_280, %shift_left3A_279 : vector<16xi32>
      %shift_left3A_282 = arith.constant 7 : i32
      %shift_left3A_283 = vector.broadcast %shift_left3A_282 : i32 to vector<16xi32>
      %shift_left3A_284 = arith.shli %convert_element_type3A_227, %shift_left3A_283 : vector<16xi32>
      %shift_left3A_285 = arith.constant 7 : i32
      %shift_left3A_286 = vector.broadcast %shift_left3A_285 : i32 to vector<16xi32>
      %shift_left3A_287 = arith.shli %min3A_241, %shift_left3A_286 : vector<16xi32>
      %add3A_288 = arith.addi %add3A_276, %shift_left3A_284 : vector<16xi32>
      %add3A_289 = arith.addi %add3A_288, %convert_element_type3A_252 : vector<16xi32>
      %swap3A_290 = arith.index_cast %mul3A_196 : i32 to index
      %swap3A_291 = tpu.vector_load %arg11[%swap3A_290] {strides = array<i32>} : memref<1024xi32, #tpu.memory_space<vmem>>, vector<16xi32>,
      tpu.vector_store %arg11[%swap3A_290], %add3A_289 {strides = array<i32>} : memref<1024xi32, #tpu.memory_space<vmem>>, vector<16xi32>,
      %add3A_292 = arith.addi %add3A_276, %shift_left3A_284 : vector<16xi32>
      %add3A_293 = arith.addi %add3A_292, %min3A_266 : vector<16xi32>
      %swap3A_294 = arith.index_cast %mul3A_196 : i32 to index
      %swap3A_295 = tpu.vector_load %arg12[%swap3A_294] {strides = array<i32>} : memref<1024xi32, #tpu.memory_space<vmem>>, vector<16xi32>,
      tpu.vector_store %arg12[%swap3A_294], %add3A_293 {strides = array<i32>} : memref<1024xi32, #tpu.memory_space<vmem>>, vector<16xi32>,
      %add3A_296 = arith.addi %add3A_276, %shift_left3A_287 : vector<16xi32>
      %add3A_297 = arith.addi %add3A_296, %convert_element_type3A_252 : vector<16xi32>
      %swap3A_298 = arith.index_cast %mul3A_196 : i32 to index
      %swap3A_299 = tpu.vector_load %arg13[%swap3A_298] {strides = array<i32>} : memref<1024xi32, #tpu.memory_space<vmem>>, vector<16xi32>,
      tpu.vector_store %arg13[%swap3A_298], %add3A_297 {strides = array<i32>} : memref<1024xi32, #tpu.memory_space<vmem>>, vector<16xi32>,
      %add3A_300 = arith.addi %add3A_276, %shift_left3A_287 : vector<16xi32>
      %add3A_301 = arith.addi %add3A_300, %min3A_266 : vector<16xi32>
      %swap3A_302 = arith.index_cast %mul3A_196 : i32 to index
      %swap3A_303 = tpu.vector_load %arg14[%swap3A_302] {strides = array<i32>} : memref<1024xi32, #tpu.memory_space<vmem>>, vector<16xi32>,
      tpu.vector_store %arg14[%swap3A_302], %add3A_301 {strides = array<i32>} : memref<1024xi32, #tpu.memory_space<vmem>>, vector<16xi32>,
      %add3A_304 = arith.addi %add3A_281, %shift_left3A_284 : vector<16xi32>
      %add3A_305 = arith.addi %add3A_304, %convert_element_type3A_252 : vector<16xi32>
      %swap3A_306 = arith.index_cast %mul3A_196 : i32 to index
      %swap3A_307 = tpu.vector_load %arg15[%swap3A_306] {strides = array<i32>} : memref<1024xi32, #tpu.memory_space<vmem>>, vector<16xi32>,
      tpu.vector_store %arg15[%swap3A_306], %add3A_305 {strides = array<i32>} : memref<1024xi32, #tpu.memory_space<vmem>>, vector<16xi32>,
      %add3A_308 = arith.addi %add3A_281, %shift_left3A_284 : vector<16xi32>
      %add3A_309 = arith.addi %add3A_308, %min3A_266 : vector<16xi32>
      %swap3A_310 = arith.index_cast %mul3A_196 : i32 to index
      %swap3A_311 = tpu.vector_load %arg16[%swap3A_310] {strides = array<i32>} : memref<1024xi32, #tpu.memory_space<vmem>>, vector<16xi32>,
      tpu.vector_store %arg16[%swap3A_310], %add3A_309 {strides = array<i32>} : memref<1024xi32, #tpu.memory_space<vmem>>, vector<16xi32>,
      %add3A_312 = arith.addi %add3A_281, %shift_left3A_287 : vector<16xi32>
      %add3A_313 = arith.addi %add3A_312, %convert_element_type3A_252 : vector<16xi32>
      %swap3A_314 = arith.index_cast %mul3A_196 : i32 to index
      %swap3A_315 = tpu.vector_load %arg17[%swap3A_314] {strides = array<i32>} : memref<1024xi32, #tpu.memory_space<vmem>>, vector<16xi32>,
      tpu.vector_store %arg17[%swap3A_314], %add3A_313 {strides = array<i32>} : memref<1024xi32, #tpu.memory_space<vmem>>, vector<16xi32>,
      %add3A_316 = arith.addi %add3A_281, %shift_left3A_287 : vector<16xi32>
      %add3A_317 = arith.addi %add3A_316, %min3A_266 : vector<16xi32>
      %swap3A_318 = arith.index_cast %mul3A_196 : i32 to index
      %swap3A_319 = tpu.vector_load %arg18[%swap3A_318] {strides = array<i32>} : memref<1024xi32, #tpu.memory_space<vmem>>, vector<16xi32>,
      tpu.vector_store %arg18[%swap3A_318], %add3A_317 {strides = array<i32>} : memref<1024xi32, #tpu.memory_space<vmem>>, vector<16xi32>,
    }
    %scan3A_109 = arith.constant 64 : i32
    %dma_start3A_110 = arith.constant 0 : i32
    %dma_start3A_111 = tpu.memref_slice %arg2[%dma_start3A_110] : memref<4194304xf32, #tpu.memory_space<hbm>> -> memref<4194304xf32, #tpu.memory_space<hbm>>
    tpu.enqueue_indirect_dma source(%dma_start3A_111 : memref<4194304xf32, #tpu.memory_space<hbm>>) target(%arg27 : memref<1024xf32, #tpu.memory_space<vmem>>) offsets(%arg11 : memref<1024xi32, #tpu.memory_space<vmem>>) semaphore(%arg51 : memref<!tpu.dma_semaphore, #tpu.memory_space<semaphore_mem>>)
    %dma_start3A_112 = arith.constant 0 : i32
    %dma_start3A_113 = tpu.memref_slice %arg2[%dma_start3A_112] : memref<4194304xf32, #tpu.memory_space<hbm>> -> memref<4194304xf32, #tpu.memory_space<hbm>>
    tpu.enqueue_indirect_dma source(%dma_start3A_113 : memref<4194304xf32, #tpu.memory_space<hbm>>) target(%arg28 : memref<1024xf32, #tpu.memory_space<vmem>>) offsets(%arg12 : memref<1024xi32, #tpu.memory_space<vmem>>) semaphore(%arg51 : memref<!tpu.dma_semaphore, #tpu.memory_space<semaphore_mem>>)
    %dma_start3A_114 = arith.constant 0 : i32
    %dma_start3A_115 = tpu.memref_slice %arg2[%dma_start3A_114] : memref<4194304xf32, #tpu.memory_space<hbm>> -> memref<4194304xf32, #tpu.memory_space<hbm>>
    tpu.enqueue_indirect_dma source(%dma_start3A_115 : memref<4194304xf32, #tpu.memory_space<hbm>>) target(%arg29 : memref<1024xf32, #tpu.memory_space<vmem>>) offsets(%arg13 : memref<1024xi32, #tpu.memory_space<vmem>>) semaphore(%arg51 : memref<!tpu.dma_semaphore, #tpu.memory_space<semaphore_mem>>)
    %dma_start3A_116 = arith.constant 0 : i32
    %dma_start3A_117 = tpu.memref_slice %arg2[%dma_start3A_116] : memref<4194304xf32, #tpu.memory_space<hbm>> -> memref<4194304xf32, #tpu.memory_space<hbm>>
    tpu.enqueue_indirect_dma source(%dma_start3A_117 : memref<4194304xf32, #tpu.memory_space<hbm>>) target(%arg30 : memref<1024xf32, #tpu.memory_space<vmem>>) offsets(%arg14 : memref<1024xi32, #tpu.memory_space<vmem>>) semaphore(%arg51 : memref<!tpu.dma_semaphore, #tpu.memory_space<semaphore_mem>>)
    %dma_start3A_118 = arith.constant 0 : i32
    %dma_start3A_119 = tpu.memref_slice %arg2[%dma_start3A_118] : memref<4194304xf32, #tpu.memory_space<hbm>> -> memref<4194304xf32, #tpu.memory_space<hbm>>
    tpu.enqueue_indirect_dma source(%dma_start3A_119 : memref<4194304xf32, #tpu.memory_space<hbm>>) target(%arg31 : memref<1024xf32, #tpu.memory_space<vmem>>) offsets(%arg15 : memref<1024xi32, #tpu.memory_space<vmem>>) semaphore(%arg51 : memref<!tpu.dma_semaphore, #tpu.memory_space<semaphore_mem>>)
    %dma_start3A_120 = arith.constant 0 : i32
    %dma_start3A_121 = tpu.memref_slice %arg2[%dma_start3A_120] : memref<4194304xf32, #tpu.memory_space<hbm>> -> memref<4194304xf32, #tpu.memory_space<hbm>>
    tpu.enqueue_indirect_dma source(%dma_start3A_121 : memref<4194304xf32, #tpu.memory_space<hbm>>) target(%arg32 : memref<1024xf32, #tpu.memory_space<vmem>>) offsets(%arg16 : memref<1024xi32, #tpu.memory_space<vmem>>) semaphore(%arg51 : memref<!tpu.dma_semaphore, #tpu.memory_space<semaphore_mem>>)
    %dma_start3A_122 = arith.constant 0 : i32
    %dma_start3A_123 = tpu.memref_slice %arg2[%dma_start3A_122] : memref<4194304xf32, #tpu.memory_space<hbm>> -> memref<4194304xf32, #tpu.memory_space<hbm>>
    tpu.enqueue_indirect_dma source(%dma_start3A_123 : memref<4194304xf32, #tpu.memory_space<hbm>>) target(%arg33 : memref<1024xf32, #tpu.memory_space<vmem>>) offsets(%arg17 : memref<1024xi32, #tpu.memory_space<vmem>>) semaphore(%arg51 : memref<!tpu.dma_semaphore, #tpu.memory_space<semaphore_mem>>)
    %dma_start3A_124 = arith.constant 0 : i32
    %dma_start3A_125 = tpu.memref_slice %arg2[%dma_start3A_124] : memref<4194304xf32, #tpu.memory_space<hbm>> -> memref<4194304xf32, #tpu.memory_space<hbm>>
    tpu.enqueue_indirect_dma source(%dma_start3A_125 : memref<4194304xf32, #tpu.memory_space<hbm>>) target(%arg34 : memref<1024xf32, #tpu.memory_space<vmem>>) offsets(%arg18 : memref<1024xi32, #tpu.memory_space<vmem>>) semaphore(%arg51 : memref<!tpu.dma_semaphore, #tpu.memory_space<semaphore_mem>>)
    %add3A_126 = arith.constant 2048 : i32
    %add3A_127 = arith.addi %mul3A_2, %add3A_126 : i32
    %shift_right_arithmetic3A_128 = arith.constant 14 : i32
    %shift_right_arithmetic3A_129 = arith.shrsi %add3A_127, %shift_right_arithmetic3A_128 : i32
    %mul3A_130 = arith.constant 3 : i32
    %mul3A_131 = arith.muli %shift_right_arithmetic3A_129, %mul3A_130 : i32
    %add3A_132 = arith.constant 2048 : i32
    %add3A_133 = arith.addi %sub3A, %add3A_132 : i32
    %and3A_134 = arith.constant 16383 : i32
    %and3A_135 = arith.andi %add3A_133, %and3A_134 : i32
    %add3A_136 = arith.constant 0 : i32
    %add3A_137 = arith.addi %mul3A_131, %add3A_136 : i32
    %mul3A_138 = arith.constant 16384 : i32
    %mul3A_139 = arith.muli %add3A_137, %mul3A_138 : i32
    %add3A_140 = arith.addi %mul3A_139, %and3A_135 : i32
    %multiple_of3A_141 = tpu.assume_multiple %add3A_140, 8 : i32
    %add3A_142 = arith.constant 1 : i32
    %add3A_143 = arith.addi %mul3A_131, %add3A_142 : i32
    %mul3A_144 = arith.constant 16384 : i32
    %mul3A_145 = arith.muli %add3A_143, %mul3A_144 : i32
    %add3A_146 = arith.addi %mul3A_145, %and3A_135 : i32
    %multiple_of3A_147 = tpu.assume_multiple %add3A_146, 8 : i32
    %add3A_148 = arith.constant 2 : i32
    %add3A_149 = arith.addi %mul3A_131, %add3A_148 : i32
    %mul3A_150 = arith.constant 16384 : i32
    %mul3A_151 = arith.muli %add3A_149, %mul3A_150 : i32
    %add3A_152 = arith.addi %mul3A_151, %and3A_135 : i32
    %multiple_of3A_153 = tpu.assume_multiple %add3A_152, 8 : i32
    %dma_start3A_154 = tpu.memref_slice %arg3[%multiple_of3A_141] : memref<12582912xf32, #tpu.memory_space<hbm>> -> memref<1024xf32, #tpu.memory_space<hbm>>
    %dma_start3A_155 = tpu.memref_slice %arg3[%multiple_of3A_141] : memref<12582912xf32, #tpu.memory_space<hbm>> -> memref<1024xf32, #tpu.memory_space<hbm>>
    tpu.enqueue_dma source(%dma_start3A_155 : memref<1024xf32, #tpu.memory_space<hbm>>) target(%arg5 : memref<1024xf32, #tpu.memory_space<vmem>>) target_semaphore(%arg53 : memref<!tpu.dma_semaphore, #tpu.memory_space<semaphore_mem>>)
    %dma_start3A_156 = tpu.memref_slice %arg3[%multiple_of3A_147] : memref<12582912xf32, #tpu.memory_space<hbm>> -> memref<1024xf32, #tpu.memory_space<hbm>>
    %dma_start3A_157 = tpu.memref_slice %arg3[%multiple_of3A_147] : memref<12582912xf32, #tpu.memory_space<hbm>> -> memref<1024xf32, #tpu.memory_space<hbm>>
    tpu.enqueue_dma source(%dma_start3A_157 : memref<1024xf32, #tpu.memory_space<hbm>>) target(%arg6 : memref<1024xf32, #tpu.memory_space<vmem>>) target_semaphore(%arg53 : memref<!tpu.dma_semaphore, #tpu.memory_space<semaphore_mem>>)
    %dma_start3A_158 = tpu.memref_slice %arg3[%multiple_of3A_153] : memref<12582912xf32, #tpu.memory_space<hbm>> -> memref<1024xf32, #tpu.memory_space<hbm>>
    %dma_start3A_159 = tpu.memref_slice %arg3[%multiple_of3A_153] : memref<12582912xf32, #tpu.memory_space<hbm>> -> memref<1024xf32, #tpu.memory_space<hbm>>
    tpu.enqueue_dma source(%dma_start3A_159 : memref<1024xf32, #tpu.memory_space<hbm>>) target(%arg7 : memref<1024xf32, #tpu.memory_space<vmem>>) target_semaphore(%arg53 : memref<!tpu.dma_semaphore, #tpu.memory_space<semaphore_mem>>)
    %scan3A_160 = arith.constant 0 : i32
    %scan3A_161 = arith.constant 0 : i32
    %scan3A_162 = arith.constant 64 : i32
    %scan3A_163 = arith.addi %scan3A_161, %scan3A_162 : i32
    %scan3A_164 = arith.constant 1 : i32
    scf.for %scan3A_174 = %scan3A_161 to %scan3A_163 step %scan3A_164  : i32 {
      %mul3A_175 = arith.constant 2 : i32
      %mul3A_176 = arith.muli %mul3A_175, %scan3A_174 : i32
      %add3A_177 = arith.constant 1 : i32
      %add3A_178 = arith.addi %mul3A_176, %add3A_177 : i32
      %mul3A_179 = arith.constant 1024 : i32
      %mul3A_180 = arith.muli %add3A_178, %mul3A_179 : i32
      %add3A_181 = arith.addi %sub3A, %mul3A_180 : i32
      %mul3A_182 = arith.constant 1024 : i32
      %mul3A_183 = arith.muli %add3A_178, %mul3A_182 : i32
      %add3A_184 = arith.addi %mul3A_2, %mul3A_183 : i32
      %shift_right_arithmetic3A_185 = arith.constant 14 : i32
      %shift_right_arithmetic3A_186 = arith.shrsi %add3A_184, %shift_right_arithmetic3A_185 : i32
      %mul3A_187 = arith.constant 3 : i32
      %mul3A_188 = arith.muli %shift_right_arithmetic3A_186, %mul3A_187 : i32
      %mul3A_189 = arith.constant 1024 : i32
      %mul3A_190 = arith.muli %add3A_178, %mul3A_189 : i32
      %add3A_191 = arith.addi %sub3A, %mul3A_190 : i32
      %and3A_192 = arith.constant 16383 : i32
      %and3A_193 = arith.andi %add3A_191, %and3A_192 : i32
      %add3A_194 = arith.constant 0 : i32
      %add3A_195 = arith.addi %mul3A_188, %add3A_194 : i32
      %mul3A_196 = arith.constant 16384 : i32
      %mul3A_197 = arith.muli %add3A_195, %mul3A_196 : i32
      %add3A_198 = arith.addi %mul3A_197, %and3A_193 : i32
      %multiple_of3A_199 = tpu.assume_multiple %add3A_198, 8 : i32
      %add3A_200 = arith.constant 1 : i32
      %add3A_201 = arith.addi %mul3A_188, %add3A_200 : i32
      %mul3A_202 = arith.constant 16384 : i32
      %mul3A_203 = arith.muli %add3A_201, %mul3A_202 : i32
      %add3A_204 = arith.addi %mul3A_203, %and3A_193 : i32
      %multiple_of3A_205 = tpu.assume_multiple %add3A_204, 8 : i32
      %add3A_206 = arith.constant 2 : i32
      %add3A_207 = arith.addi %mul3A_188, %add3A_206 : i32
      %mul3A_208 = arith.constant 16384 : i32
      %mul3A_209 = arith.muli %add3A_207, %mul3A_208 : i32
      %add3A_210 = arith.addi %mul3A_209, %and3A_193 : i32
      %multiple_of3A_211 = tpu.assume_multiple %add3A_210, 8 : i32
      %dma_wait3A_212 = tpu.memref_slice %arg3[%multiple_of3A_199] : memref<12582912xf32, #tpu.memory_space<hbm>> -> memref<1024xf32, #tpu.memory_space<hbm>>
      %dma_wait3A_213 = tpu.memref_slice %arg3[%multiple_of3A_199] : memref<12582912xf32, #tpu.memory_space<hbm>> -> memref<1024xf32, #tpu.memory_space<hbm>>
      tpu.wait_dma2 semaphore(%arg54 : memref<!tpu.dma_semaphore, #tpu.memory_space<semaphore_mem>>) src(%dma_wait3A_213 : memref<1024xf32, #tpu.memory_space<hbm>>) dst(%arg8 : memref<1024xf32, #tpu.memory_space<vmem>>)
      %dma_wait3A_214 = tpu.memref_slice %arg3[%multiple_of3A_205] : memref<12582912xf32, #tpu.memory_space<hbm>> -> memref<1024xf32, #tpu.memory_space<hbm>>
      %dma_wait3A_215 = tpu.memref_slice %arg3[%multiple_of3A_205] : memref<12582912xf32, #tpu.memory_space<hbm>> -> memref<1024xf32, #tpu.memory_space<hbm>>
      tpu.wait_dma2 semaphore(%arg54 : memref<!tpu.dma_semaphore, #tpu.memory_space<semaphore_mem>>) src(%dma_wait3A_215 : memref<1024xf32, #tpu.memory_space<hbm>>) dst(%arg9 : memref<1024xf32, #tpu.memory_space<vmem>>)
      %dma_wait3A_216 = tpu.memref_slice %arg3[%multiple_of3A_211] : memref<12582912xf32, #tpu.memory_space<hbm>> -> memref<1024xf32, #tpu.memory_space<hbm>>
      %dma_wait3A_217 = tpu.memref_slice %arg3[%multiple_of3A_211] : memref<12582912xf32, #tpu.memory_space<hbm>> -> memref<1024xf32, #tpu.memory_space<hbm>>
      tpu.wait_dma2 semaphore(%arg54 : memref<!tpu.dma_semaphore, #tpu.memory_space<semaphore_mem>>) src(%dma_wait3A_217 : memref<1024xf32, #tpu.memory_space<hbm>>) dst(%arg10 : memref<1024xf32, #tpu.memory_space<vmem>>)
      %scan3A_218 = arith.constant 0 : i32
      %scan3A_219 = arith.constant 0 : i32
      %scan3A_220 = arith.constant 64 : i32
      %scan3A_221 = arith.addi %scan3A_219, %scan3A_220 : i32
      %scan3A_222 = arith.constant 1 : i32
      scf.for %scan3A_316 = %scan3A_219 to %scan3A_221 step %scan3A_222  : i32 {
        %mul3A_317 = arith.constant 16 : i32
        %mul3A_318 = arith.muli %scan3A_316, %mul3A_317 : i32
        %add3A_319 = arith.addi %add3A_181, %mul3A_318 : i32
        %add3A_320 = vector.broadcast %add3A_319 : i32 to vector<16xi32>
        %add3A_321 = arith.addi %add3A_320, %iota3A : vector<16xi32>
        %and3A_322 = arith.constant 127 : i32
        %and3A_323 = vector.broadcast %and3A_322 : i32 to vector<16xi32>
        %and3A_324 = arith.andi %add3A_321, %and3A_323 : vector<16xi32>
        %shift_right_arithmetic3A_325 = arith.constant 7 : i32
        %shift_right_arithmetic3A_326 = vector.broadcast %shift_right_arithmetic3A_325 : i32 to vector<16xi32>
        %shift_right_arithmetic3A_327 = arith.shrsi %add3A_321, %shift_right_arithmetic3A_326 : vector<16xi32>
        %and3A_328 = arith.constant 127 : i32
        %and3A_329 = vector.broadcast %and3A_328 : i32 to vector<16xi32>
        %and3A_330 = arith.andi %shift_right_arithmetic3A_327, %and3A_329 : vector<16xi32>
        %shift_right_arithmetic3A_331 = arith.constant 14 : i32
        %shift_right_arithmetic3A_332 = vector.broadcast %shift_right_arithmetic3A_331 : i32 to vector<16xi32>
        %shift_right_arithmetic3A_333 = arith.shrsi %add3A_321, %shift_right_arithmetic3A_332 : vector<16xi32>
        %and3A_334 = arith.constant 127 : i32
        %and3A_335 = vector.broadcast %and3A_334 : i32 to vector<16xi32>
        %and3A_336 = arith.andi %shift_right_arithmetic3A_333, %and3A_335 : vector<16xi32>
        %mul3A_337 = arith.constant 16 : i32
        %mul3A_338 = arith.muli %scan3A_316, %mul3A_337 : i32
        %get3A = arith.index_cast %mul3A_338 : i32 to index
        %get3A_339 = tpu.vector_load %arg8[%get3A] {strides = array<i32>} : memref<1024xf32, #tpu.memory_space<vmem>>, vector<16xf32>,
        %convert_element_type3A_340 = arith.sitofp %and3A_336 : vector<16xi32> to vector<16xf32>
        %add3A_341 = arith.addf %convert_element_type3A_340, %get3A_339 : vector<16xf32>
        %jit3A = arith.constant 0.000000e+00 : f32
        %jit3A_342 = arith.constant 1.270000e+02 : f32
        %max3A = vector.broadcast %jit3A : f32 to vector<16xf32>
        %max3A_343 = arith.maximumf %max3A, %add3A_341 : vector<16xf32>
        %min3A = vector.broadcast %jit3A_342 : f32 to vector<16xf32>
        %min3A_344 = arith.minimumf %min3A, %max3A_343 : vector<16xf32>
        %convert_element_type3A_345 = arith.fptosi %min3A_344 : vector<16xf32> to vector<16xi32>
        %convert_element_type3A_346 = arith.sitofp %convert_element_type3A_345 : vector<16xi32> to vector<16xf32>
        %add3A_347 = arith.constant 1.000000e+00 : f32
        %add3A_348 = vector.broadcast %add3A_347 : f32 to vector<16xf32>
        %add3A_349 = arith.addf %convert_element_type3A_346, %add3A_348 : vector<16xf32>
        %min3A_350 = arith.constant 1.270000e+02 : f32
        %min3A_351 = vector.broadcast %min3A_350 : f32 to vector<16xf32>
        %min3A_352 = arith.minimumf %add3A_349, %min3A_351 : vector<16xf32>
        %sub3A_353 = arith.subf %min3A_352, %min3A_344 : vector<16xf32>
        %add3A_354 = arith.constant 1 : i32
        %add3A_355 = vector.broadcast %add3A_354 : i32 to vector<16xi32>
        %add3A_356 = arith.addi %convert_element_type3A_345, %add3A_355 : vector<16xi32>
        %min3A_357 = arith.constant 127 : i32
        %min3A_358 = vector.broadcast %min3A_357 : i32 to vector<16xi32>
        %min3A_359 = arith.minsi %add3A_356, %min3A_358 : vector<16xi32>
        %get3A_360 = arith.index_cast %mul3A_338 : i32 to index
        %get3A_361 = tpu.vector_load %arg9[%get3A_360] {strides = array<i32>} : memref<1024xf32, #tpu.memory_space<vmem>>, vector<16xf32>,
        %convert_element_type3A_362 = arith.sitofp %and3A_330 : vector<16xi32> to vector<16xf32>
        %add3A_363 = arith.addf %convert_element_type3A_362, %get3A_361 : vector<16xf32>
        %jit3A_364 = arith.constant 0.000000e+00 : f32
        %jit3A_365 = arith.constant 1.270000e+02 : f32
        %max3A_366 = vector.broadcast %jit3A_364 : f32 to vector<16xf32>
        %max3A_367 = arith.maximumf %max3A_366, %add3A_363 : vector<16xf32>
        %min3A_368 = vector.broadcast %jit3A_365 : f32 to vector<16xf32>
        %min3A_369 = arith.minimumf %min3A_368, %max3A_367 : vector<16xf32>
        %convert_element_type3A_370 = arith.fptosi %min3A_369 : vector<16xf32> to vector<16xi32>
        %convert_element_type3A_371 = arith.sitofp %convert_element_type3A_370 : vector<16xi32> to vector<16xf32>
        %add3A_372 = arith.constant 1.000000e+00 : f32
        %add3A_373 = vector.broadcast %add3A_372 : f32 to vector<16xf32>
        %add3A_374 = arith.addf %convert_element_type3A_371, %add3A_373 : vector<16xf32>
        %min3A_375 = arith.constant 1.270000e+02 : f32
        %min3A_376 = vector.broadcast %min3A_375 : f32 to vector<16xf32>
        %min3A_377 = arith.minimumf %add3A_374, %min3A_376 : vector<16xf32>
        %sub3A_378 = arith.subf %min3A_377, %min3A_369 : vector<16xf32>
        %add3A_379 = arith.constant 1 : i32
        %add3A_380 = vector.broadcast %add3A_379 : i32 to vector<16xi32>
        %add3A_381 = arith.addi %convert_element_type3A_370, %add3A_380 : vector<16xi32>
        %min3A_382 = arith.constant 127 : i32
        %min3A_383 = vector.broadcast %min3A_382 : i32 to vector<16xi32>
        %min3A_384 = arith.minsi %add3A_381, %min3A_383 : vector<16xi32>
        %get3A_385 = arith.index_cast %mul3A_338 : i32 to index
        %get3A_386 = tpu.vector_load %arg10[%get3A_385] {strides = array<i32>} : memref<1024xf32, #tpu.memory_space<vmem>>, vector<16xf32>,
        %convert_element_type3A_387 = arith.sitofp %and3A_324 : vector<16xi32> to vector<16xf32>
        %add3A_388 = arith.addf %convert_element_type3A_387, %get3A_386 : vector<16xf32>
        %jit3A_389 = arith.constant 0.000000e+00 : f32
        %jit3A_390 = arith.constant 1.270000e+02 : f32
        %max3A_391 = vector.broadcast %jit3A_389 : f32 to vector<16xf32>
        %max3A_392 = arith.maximumf %max3A_391, %add3A_388 : vector<16xf32>
        %min3A_393 = vector.broadcast %jit3A_390 : f32 to vector<16xf32>
        %min3A_394 = arith.minimumf %min3A_393, %max3A_392 : vector<16xf32>
        %convert_element_type3A_395 = arith.fptosi %min3A_394 : vector<16xf32> to vector<16xi32>
        %convert_element_type3A_396 = arith.sitofp %convert_element_type3A_395 : vector<16xi32> to vector<16xf32>
        %add3A_397 = arith.constant 1.000000e+00 : f32
        %add3A_398 = vector.broadcast %add3A_397 : f32 to vector<16xf32>
        %add3A_399 = arith.addf %convert_element_type3A_396, %add3A_398 : vector<16xf32>
        %min3A_400 = arith.constant 1.270000e+02 : f32
        %min3A_401 = vector.broadcast %min3A_400 : f32 to vector<16xf32>
        %min3A_402 = arith.minimumf %add3A_399, %min3A_401 : vector<16xf32>
        %sub3A_403 = arith.subf %min3A_402, %min3A_394 : vector<16xf32>
        %add3A_404 = arith.constant 1 : i32
        %add3A_405 = vector.broadcast %add3A_404 : i32 to vector<16xi32>
        %add3A_406 = arith.addi %convert_element_type3A_395, %add3A_405 : vector<16xi32>
        %min3A_407 = arith.constant 127 : i32
        %min3A_408 = vector.broadcast %min3A_407 : i32 to vector<16xi32>
        %min3A_409 = arith.minsi %add3A_406, %min3A_408 : vector<16xi32>
        %swap3A = arith.index_cast %mul3A_338 : i32 to index
        %swap3A_410 = tpu.vector_load %arg46[%swap3A] {strides = array<i32>} : memref<1024xf32, #tpu.memory_space<vmem>>, vector<16xf32>,
        tpu.vector_store %arg46[%swap3A], %sub3A_353 {strides = array<i32>} : memref<1024xf32, #tpu.memory_space<vmem>>, vector<16xf32>,
        %swap3A_411 = arith.index_cast %mul3A_338 : i32 to index
        %swap3A_412 = tpu.vector_load %arg47[%swap3A_411] {strides = array<i32>} : memref<1024xf32, #tpu.memory_space<vmem>>, vector<16xf32>,
        tpu.vector_store %arg47[%swap3A_411], %sub3A_378 {strides = array<i32>} : memref<1024xf32, #tpu.memory_space<vmem>>, vector<16xf32>,
        %swap3A_413 = arith.index_cast %mul3A_338 : i32 to index
        %swap3A_414 = tpu.vector_load %arg48[%swap3A_413] {strides = array<i32>} : memref<1024xf32, #tpu.memory_space<vmem>>, vector<16xf32>,
        tpu.vector_store %arg48[%swap3A_413], %sub3A_403 {strides = array<i32>} : memref<1024xf32, #tpu.memory_space<vmem>>, vector<16xf32>,
        %shift_left3A_415 = arith.constant 14 : i32
        %shift_left3A_416 = vector.broadcast %shift_left3A_415 : i32 to vector<16xi32>
        %shift_left3A_417 = arith.shli %convert_element_type3A_345, %shift_left3A_416 : vector<16xi32>
        %add3A_418 = vector.broadcast %shift_left3A_4 : i32 to vector<16xi32>
        %add3A_419 = arith.addi %add3A_418, %shift_left3A_417 : vector<16xi32>
        %shift_left3A_420 = arith.constant 14 : i32
        %shift_left3A_421 = vector.broadcast %shift_left3A_420 : i32 to vector<16xi32>
        %shift_left3A_422 = arith.shli %min3A_359, %shift_left3A_421 : vector<16xi32>
        %add3A_423 = vector.broadcast %shift_left3A_4 : i32 to vector<16xi32>
        %add3A_424 = arith.addi %add3A_423, %shift_left3A_422 : vector<16xi32>
        %shift_left3A_425 = arith.constant 7 : i32
        %shift_left3A_426 = vector.broadcast %shift_left3A_425 : i32 to vector<16xi32>
        %shift_left3A_427 = arith.shli %convert_element_type3A_370, %shift_left3A_426 : vector<16xi32>
        %shift_left3A_428 = arith.constant 7 : i32
        %shift_left3A_429 = vector.broadcast %shift_left3A_428 : i32 to vector<16xi32>
        %shift_left3A_430 = arith.shli %min3A_384, %shift_left3A_429 : vector<16xi32>
        %add3A_431 = arith.addi %add3A_419, %shift_left3A_427 : vector<16xi32>
        %add3A_432 = arith.addi %add3A_431, %convert_element_type3A_395 : vector<16xi32>
        %swap3A_433 = arith.index_cast %mul3A_338 : i32 to index
        %swap3A_434 = tpu.vector_load %arg19[%swap3A_433] {strides = array<i32>} : memref<1024xi32, #tpu.memory_space<vmem>>, vector<16xi32>,
        tpu.vector_store %arg19[%swap3A_433], %add3A_432 {strides = array<i32>} : memref<1024xi32, #tpu.memory_space<vmem>>, vector<16xi32>,
        %add3A_435 = arith.addi %add3A_419, %shift_left3A_427 : vector<16xi32>
        %add3A_436 = arith.addi %add3A_435, %min3A_409 : vector<16xi32>
        %swap3A_437 = arith.index_cast %mul3A_338 : i32 to index
        %swap3A_438 = tpu.vector_load %arg20[%swap3A_437] {strides = array<i32>} : memref<1024xi32, #tpu.memory_space<vmem>>, vector<16xi32>,
        tpu.vector_store %arg20[%swap3A_437], %add3A_436 {strides = array<i32>} : memref<1024xi32, #tpu.memory_space<vmem>>, vector<16xi32>,
        %add3A_439 = arith.addi %add3A_419, %shift_left3A_430 : vector<16xi32>
        %add3A_440 = arith.addi %add3A_439, %convert_element_type3A_395 : vector<16xi32>
        %swap3A_441 = arith.index_cast %mul3A_338 : i32 to index
        %swap3A_442 = tpu.vector_load %arg21[%swap3A_441] {strides = array<i32>} : memref<1024xi32, #tpu.memory_space<vmem>>, vector<16xi32>,
        tpu.vector_store %arg21[%swap3A_441], %add3A_440 {strides = array<i32>} : memref<1024xi32, #tpu.memory_space<vmem>>, vector<16xi32>,
        %add3A_443 = arith.addi %add3A_419, %shift_left3A_430 : vector<16xi32>
        %add3A_444 = arith.addi %add3A_443, %min3A_409 : vector<16xi32>
        %swap3A_445 = arith.index_cast %mul3A_338 : i32 to index
        %swap3A_446 = tpu.vector_load %arg22[%swap3A_445] {strides = array<i32>} : memref<1024xi32, #tpu.memory_space<vmem>>, vector<16xi32>,
        tpu.vector_store %arg22[%swap3A_445], %add3A_444 {strides = array<i32>} : memref<1024xi32, #tpu.memory_space<vmem>>, vector<16xi32>,
        %add3A_447 = arith.addi %add3A_424, %shift_left3A_427 : vector<16xi32>
        %add3A_448 = arith.addi %add3A_447, %convert_element_type3A_395 : vector<16xi32>
        %swap3A_449 = arith.index_cast %mul3A_338 : i32 to index
        %swap3A_450 = tpu.vector_load %arg23[%swap3A_449] {strides = array<i32>} : memref<1024xi32, #tpu.memory_space<vmem>>, vector<16xi32>,
        tpu.vector_store %arg23[%swap3A_449], %add3A_448 {strides = array<i32>} : memref<1024xi32, #tpu.memory_space<vmem>>, vector<16xi32>,
        %add3A_451 = arith.addi %add3A_424, %shift_left3A_427 : vector<16xi32>
        %add3A_452 = arith.addi %add3A_451, %min3A_409 : vector<16xi32>
        %swap3A_453 = arith.index_cast %mul3A_338 : i32 to index
        %swap3A_454 = tpu.vector_load %arg24[%swap3A_453] {strides = array<i32>} : memref<1024xi32, #tpu.memory_space<vmem>>, vector<16xi32>,
        tpu.vector_store %arg24[%swap3A_453], %add3A_452 {strides = array<i32>} : memref<1024xi32, #tpu.memory_space<vmem>>, vector<16xi32>,
        %add3A_455 = arith.addi %add3A_424, %shift_left3A_430 : vector<16xi32>
        %add3A_456 = arith.addi %add3A_455, %convert_element_type3A_395 : vector<16xi32>
        %swap3A_457 = arith.index_cast %mul3A_338 : i32 to index
        %swap3A_458 = tpu.vector_load %arg25[%swap3A_457] {strides = array<i32>} : memref<1024xi32, #tpu.memory_space<vmem>>, vector<16xi32>,
        tpu.vector_store %arg25[%swap3A_457], %add3A_456 {strides = array<i32>} : memref<1024xi32, #tpu.memory_space<vmem>>, vector<16xi32>,
        %add3A_459 = arith.addi %add3A_424, %shift_left3A_430 : vector<16xi32>
        %add3A_460 = arith.addi %add3A_459, %min3A_409 : vector<16xi32>
        %swap3A_461 = arith.index_cast %mul3A_338 : i32 to index
        %swap3A_462 = tpu.vector_load %arg26[%swap3A_461] {strides = array<i32>} : memref<1024xi32, #tpu.memory_space<vmem>>, vector<16xi32>,
        tpu.vector_store %arg26[%swap3A_461], %add3A_460 {strides = array<i32>} : memref<1024xi32, #tpu.memory_space<vmem>>, vector<16xi32>,
      }
      %scan3A_223 = arith.constant 64 : i32
      %dma_start3A_224 = arith.constant 0 : i32
      %dma_start3A_225 = tpu.memref_slice %arg2[%dma_start3A_224] : memref<4194304xf32, #tpu.memory_space<hbm>> -> memref<4194304xf32, #tpu.memory_space<hbm>>
      tpu.enqueue_indirect_dma source(%dma_start3A_225 : memref<4194304xf32, #tpu.memory_space<hbm>>) target(%arg35 : memref<1024xf32, #tpu.memory_space<vmem>>) offsets(%arg19 : memref<1024xi32, #tpu.memory_space<vmem>>) semaphore(%arg52 : memref<!tpu.dma_semaphore, #tpu.memory_space<semaphore_mem>>)
      %dma_start3A_226 = arith.constant 0 : i32
      %dma_start3A_227 = tpu.memref_slice %arg2[%dma_start3A_226] : memref<4194304xf32, #tpu.memory_space<hbm>> -> memref<4194304xf32, #tpu.memory_space<hbm>>
      tpu.enqueue_indirect_dma source(%dma_start3A_227 : memref<4194304xf32, #tpu.memory_space<hbm>>) target(%arg36 : memref<1024xf32, #tpu.memory_space<vmem>>) offsets(%arg20 : memref<1024xi32, #tpu.memory_space<vmem>>) semaphore(%arg52 : memref<!tpu.dma_semaphore, #tpu.memory_space<semaphore_mem>>)
      %dma_start3A_228 = arith.constant 0 : i32
      %dma_start3A_229 = tpu.memref_slice %arg2[%dma_start3A_228] : memref<4194304xf32, #tpu.memory_space<hbm>> -> memref<4194304xf32, #tpu.memory_space<hbm>>
      tpu.enqueue_indirect_dma source(%dma_start3A_229 : memref<4194304xf32, #tpu.memory_space<hbm>>) target(%arg37 : memref<1024xf32, #tpu.memory_space<vmem>>) offsets(%arg21 : memref<1024xi32, #tpu.memory_space<vmem>>) semaphore(%arg52 : memref<!tpu.dma_semaphore, #tpu.memory_space<semaphore_mem>>)
      %dma_start3A_230 = arith.constant 0 : i32
      %dma_start3A_231 = tpu.memref_slice %arg2[%dma_start3A_230] : memref<4194304xf32, #tpu.memory_space<hbm>> -> memref<4194304xf32, #tpu.memory_space<hbm>>
      tpu.enqueue_indirect_dma source(%dma_start3A_231 : memref<4194304xf32, #tpu.memory_space<hbm>>) target(%arg38 : memref<1024xf32, #tpu.memory_space<vmem>>) offsets(%arg22 : memref<1024xi32, #tpu.memory_space<vmem>>) semaphore(%arg52 : memref<!tpu.dma_semaphore, #tpu.memory_space<semaphore_mem>>)
      %dma_start3A_232 = arith.constant 0 : i32
      %dma_start3A_233 = tpu.memref_slice %arg2[%dma_start3A_232] : memref<4194304xf32, #tpu.memory_space<hbm>> -> memref<4194304xf32, #tpu.memory_space<hbm>>
      tpu.enqueue_indirect_dma source(%dma_start3A_233 : memref<4194304xf32, #tpu.memory_space<hbm>>) target(%arg39 : memref<1024xf32, #tpu.memory_space<vmem>>) offsets(%arg23 : memref<1024xi32, #tpu.memory_space<vmem>>) semaphore(%arg52 : memref<!tpu.dma_semaphore, #tpu.memory_space<semaphore_mem>>)
      %dma_start3A_234 = arith.constant 0 : i32
      %dma_start3A_235 = tpu.memref_slice %arg2[%dma_start3A_234] : memref<4194304xf32, #tpu.memory_space<hbm>> -> memref<4194304xf32, #tpu.memory_space<hbm>>
      tpu.enqueue_indirect_dma source(%dma_start3A_235 : memref<4194304xf32, #tpu.memory_space<hbm>>) target(%arg40 : memref<1024xf32, #tpu.memory_space<vmem>>) offsets(%arg24 : memref<1024xi32, #tpu.memory_space<vmem>>) semaphore(%arg52 : memref<!tpu.dma_semaphore, #tpu.memory_space<semaphore_mem>>)
      %dma_start3A_236 = arith.constant 0 : i32
      %dma_start3A_237 = tpu.memref_slice %arg2[%dma_start3A_236] : memref<4194304xf32, #tpu.memory_space<hbm>> -> memref<4194304xf32, #tpu.memory_space<hbm>>
      tpu.enqueue_indirect_dma source(%dma_start3A_237 : memref<4194304xf32, #tpu.memory_space<hbm>>) target(%arg41 : memref<1024xf32, #tpu.memory_space<vmem>>) offsets(%arg25 : memref<1024xi32, #tpu.memory_space<vmem>>) semaphore(%arg52 : memref<!tpu.dma_semaphore, #tpu.memory_space<semaphore_mem>>)
      %dma_start3A_238 = arith.constant 0 : i32
      %dma_start3A_239 = tpu.memref_slice %arg2[%dma_start3A_238] : memref<4194304xf32, #tpu.memory_space<hbm>> -> memref<4194304xf32, #tpu.memory_space<hbm>>
      tpu.enqueue_indirect_dma source(%dma_start3A_239 : memref<4194304xf32, #tpu.memory_space<hbm>>) target(%arg42 : memref<1024xf32, #tpu.memory_space<vmem>>) offsets(%arg26 : memref<1024xi32, #tpu.memory_space<vmem>>) semaphore(%arg52 : memref<!tpu.dma_semaphore, #tpu.memory_space<semaphore_mem>>)
      %add3A_240 = arith.constant 3 : i32
      %add3A_241 = arith.addi %mul3A_176, %add3A_240 : i32
      %lt3A = arith.constant 128 : i32
      %lt3A_242 = arith.cmpi slt, %add3A_241, %lt3A : i32
      %convert_element_type3A = arith.extui %lt3A_242 : i1 to i32
      %cond3A = arith.constant 0 : i32
      %cond3A_243 = arith.cmpi ne, %convert_element_type3A, %cond3A : i32
      scf.if %cond3A_243 {
        %add3A_316 = arith.constant 3 : i32
        %add3A_317 = arith.addi %mul3A_176, %add3A_316 : i32
        %mul3A_318 = arith.constant 1024 : i32
        %mul3A_319 = arith.muli %add3A_317, %mul3A_318 : i32
        %add3A_320 = arith.addi %mul3A_2, %mul3A_319 : i32
        %shift_right_arithmetic3A_321 = arith.constant 14 : i32
        %shift_right_arithmetic3A_322 = arith.shrsi %add3A_320, %shift_right_arithmetic3A_321 : i32
        %mul3A_323 = arith.constant 3 : i32
        %mul3A_324 = arith.muli %shift_right_arithmetic3A_322, %mul3A_323 : i32
        %mul3A_325 = arith.constant 1024 : i32
        %mul3A_326 = arith.muli %add3A_317, %mul3A_325 : i32
        %add3A_327 = arith.addi %sub3A, %mul3A_326 : i32
        %and3A_328 = arith.constant 16383 : i32
        %and3A_329 = arith.andi %add3A_327, %and3A_328 : i32
        %add3A_330 = arith.constant 0 : i32
        %add3A_331 = arith.addi %mul3A_324, %add3A_330 : i32
        %mul3A_332 = arith.constant 16384 : i32
        %mul3A_333 = arith.muli %add3A_331, %mul3A_332 : i32
        %add3A_334 = arith.addi %mul3A_333, %and3A_329 : i32
        %multiple_of3A_335 = tpu.assume_multiple %add3A_334, 8 : i32
        %add3A_336 = arith.constant 1 : i32
        %add3A_337 = arith.addi %mul3A_324, %add3A_336 : i32
        %mul3A_338 = arith.constant 16384 : i32
        %mul3A_339 = arith.muli %add3A_337, %mul3A_338 : i32
        %add3A_340 = arith.addi %mul3A_339, %and3A_329 : i32
        %multiple_of3A_341 = tpu.assume_multiple %add3A_340, 8 : i32
        %add3A_342 = arith.constant 2 : i32
        %add3A_343 = arith.addi %mul3A_324, %add3A_342 : i32
        %mul3A_344 = arith.constant 16384 : i32
        %mul3A_345 = arith.muli %add3A_343, %mul3A_344 : i32
        %add3A_346 = arith.addi %mul3A_345, %and3A_329 : i32
        %multiple_of3A_347 = tpu.assume_multiple %add3A_346, 8 : i32
        %dma_start3A_348 = tpu.memref_slice %arg3[%multiple_of3A_335] : memref<12582912xf32, #tpu.memory_space<hbm>> -> memref<1024xf32, #tpu.memory_space<hbm>>
        %dma_start3A_349 = tpu.memref_slice %arg3[%multiple_of3A_335] : memref<12582912xf32, #tpu.memory_space<hbm>> -> memref<1024xf32, #tpu.memory_space<hbm>>
        tpu.enqueue_dma source(%dma_start3A_349 : memref<1024xf32, #tpu.memory_space<hbm>>) target(%arg8 : memref<1024xf32, #tpu.memory_space<vmem>>) target_semaphore(%arg54 : memref<!tpu.dma_semaphore, #tpu.memory_space<semaphore_mem>>)
        %dma_start3A_350 = tpu.memref_slice %arg3[%multiple_of3A_341] : memref<12582912xf32, #tpu.memory_space<hbm>> -> memref<1024xf32, #tpu.memory_space<hbm>>
        %dma_start3A_351 = tpu.memref_slice %arg3[%multiple_of3A_341] : memref<12582912xf32, #tpu.memory_space<hbm>> -> memref<1024xf32, #tpu.memory_space<hbm>>
        tpu.enqueue_dma source(%dma_start3A_351 : memref<1024xf32, #tpu.memory_space<hbm>>) target(%arg9 : memref<1024xf32, #tpu.memory_space<vmem>>) target_semaphore(%arg54 : memref<!tpu.dma_semaphore, #tpu.memory_space<semaphore_mem>>)
        %dma_start3A_352 = tpu.memref_slice %arg3[%multiple_of3A_347] : memref<12582912xf32, #tpu.memory_space<hbm>> -> memref<1024xf32, #tpu.memory_space<hbm>>
        %dma_start3A_353 = tpu.memref_slice %arg3[%multiple_of3A_347] : memref<12582912xf32, #tpu.memory_space<hbm>> -> memref<1024xf32, #tpu.memory_space<hbm>>
        tpu.enqueue_dma source(%dma_start3A_353 : memref<1024xf32, #tpu.memory_space<hbm>>) target(%arg10 : memref<1024xf32, #tpu.memory_space<vmem>>) target_semaphore(%arg54 : memref<!tpu.dma_semaphore, #tpu.memory_space<semaphore_mem>>)
      } else {
      }
      %dma_wait3A_244 = arith.constant 0 : i32
      %dma_wait3A_245 = tpu.memref_slice %arg2[%dma_wait3A_244] : memref<4194304xf32, #tpu.memory_space<hbm>> -> memref<4194304xf32, #tpu.memory_space<hbm>>
      tpu.wait_indirect_dma semaphore(%arg51 : memref<!tpu.dma_semaphore, #tpu.memory_space<semaphore_mem>>) src(%dma_wait3A_245 : memref<4194304xf32, #tpu.memory_space<hbm>>) dst(%arg27 : memref<1024xf32, #tpu.memory_space<vmem>>)
      %dma_wait3A_246 = arith.constant 0 : i32
      %dma_wait3A_247 = tpu.memref_slice %arg2[%dma_wait3A_246] : memref<4194304xf32, #tpu.memory_space<hbm>> -> memref<4194304xf32, #tpu.memory_space<hbm>>
      tpu.wait_indirect_dma semaphore(%arg51 : memref<!tpu.dma_semaphore, #tpu.memory_space<semaphore_mem>>) src(%dma_wait3A_247 : memref<4194304xf32, #tpu.memory_space<hbm>>) dst(%arg28 : memref<1024xf32, #tpu.memory_space<vmem>>)
      %dma_wait3A_248 = arith.constant 0 : i32
      %dma_wait3A_249 = tpu.memref_slice %arg2[%dma_wait3A_248] : memref<4194304xf32, #tpu.memory_space<hbm>> -> memref<4194304xf32, #tpu.memory_space<hbm>>
      tpu.wait_indirect_dma semaphore(%arg51 : memref<!tpu.dma_semaphore, #tpu.memory_space<semaphore_mem>>) src(%dma_wait3A_249 : memref<4194304xf32, #tpu.memory_space<hbm>>) dst(%arg29 : memref<1024xf32, #tpu.memory_space<vmem>>)
      %dma_wait3A_250 = arith.constant 0 : i32
      %dma_wait3A_251 = tpu.memref_slice %arg2[%dma_wait3A_250] : memref<4194304xf32, #tpu.memory_space<hbm>> -> memref<4194304xf32, #tpu.memory_space<hbm>>
      tpu.wait_indirect_dma semaphore(%arg51 : memref<!tpu.dma_semaphore, #tpu.memory_space<semaphore_mem>>) src(%dma_wait3A_251 : memref<4194304xf32, #tpu.memory_space<hbm>>) dst(%arg30 : memref<1024xf32, #tpu.memory_space<vmem>>)
      %dma_wait3A_252 = arith.constant 0 : i32
      %dma_wait3A_253 = tpu.memref_slice %arg2[%dma_wait3A_252] : memref<4194304xf32, #tpu.memory_space<hbm>> -> memref<4194304xf32, #tpu.memory_space<hbm>>
      tpu.wait_indirect_dma semaphore(%arg51 : memref<!tpu.dma_semaphore, #tpu.memory_space<semaphore_mem>>) src(%dma_wait3A_253 : memref<4194304xf32, #tpu.memory_space<hbm>>) dst(%arg31 : memref<1024xf32, #tpu.memory_space<vmem>>)
      %dma_wait3A_254 = arith.constant 0 : i32
      %dma_wait3A_255 = tpu.memref_slice %arg2[%dma_wait3A_254] : memref<4194304xf32, #tpu.memory_space<hbm>> -> memref<4194304xf32, #tpu.memory_space<hbm>>
      tpu.wait_indirect_dma semaphore(%arg51 : memref<!tpu.dma_semaphore, #tpu.memory_space<semaphore_mem>>) src(%dma_wait3A_255 : memref<4194304xf32, #tpu.memory_space<hbm>>) dst(%arg32 : memref<1024xf32, #tpu.memory_space<vmem>>)
      %dma_wait3A_256 = arith.constant 0 : i32
      %dma_wait3A_257 = tpu.memref_slice %arg2[%dma_wait3A_256] : memref<4194304xf32, #tpu.memory_space<hbm>> -> memref<4194304xf32, #tpu.memory_space<hbm>>
      tpu.wait_indirect_dma semaphore(%arg51 : memref<!tpu.dma_semaphore, #tpu.memory_space<semaphore_mem>>) src(%dma_wait3A_257 : memref<4194304xf32, #tpu.memory_space<hbm>>) dst(%arg33 : memref<1024xf32, #tpu.memory_space<vmem>>)
      %dma_wait3A_258 = arith.constant 0 : i32
      %dma_wait3A_259 = tpu.memref_slice %arg2[%dma_wait3A_258] : memref<4194304xf32, #tpu.memory_space<hbm>> -> memref<4194304xf32, #tpu.memory_space<hbm>>
      tpu.wait_indirect_dma semaphore(%arg51 : memref<!tpu.dma_semaphore, #tpu.memory_space<semaphore_mem>>) src(%dma_wait3A_259 : memref<4194304xf32, #tpu.memory_space<hbm>>) dst(%arg34 : memref<1024xf32, #tpu.memory_space<vmem>>)
      %ge3A = arith.constant 2 : i32
      %ge3A_260 = arith.cmpi sge, %mul3A_176, %ge3A : i32
      %convert_element_type3A_261 = arith.extui %ge3A_260 : i1 to i32
      %cond3A_262 = arith.constant 0 : i32
      %cond3A_263 = arith.cmpi ne, %convert_element_type3A_261, %cond3A_262 : i32
      scf.if %cond3A_263 {
        %sub3A_316 = arith.constant 2 : i32
        %sub3A_317 = arith.subi %mul3A_176, %sub3A_316 : i32
        %mul3A_318 = arith.constant 1024 : i32
        %mul3A_319 = arith.muli %sub3A_317, %mul3A_318 : i32
        %add3A_320 = arith.addi %mul3A_2, %mul3A_319 : i32
        %dma_wait3A_321 = tpu.memref_slice %arg4[%add3A_320] : memref<4194304xf32, #tpu.memory_space<hbm>> -> memref<1024xf32, #tpu.memory_space<hbm>>
        %dma_wait3A_322 = tpu.memref_slice %arg4[%add3A_320] : memref<4194304xf32, #tpu.memory_space<hbm>> -> memref<1024xf32, #tpu.memory_space<hbm>>
        tpu.wait_dma2 semaphore(%arg55 : memref<!tpu.dma_semaphore, #tpu.memory_space<semaphore_mem>>) src(%arg49 : memref<1024xf32, #tpu.memory_space<vmem>>) dst(%dma_wait3A_322 : memref<1024xf32, #tpu.memory_space<hbm>>)
      } else {
      }
      %scan3A_264 = arith.constant 0 : i32
      %scan3A_265 = arith.constant 0 : i32
      %scan3A_266 = arith.constant 64 : i32
      %scan3A_267 = arith.addi %scan3A_265, %scan3A_266 : i32
      %scan3A_268 = arith.constant 1 : i32
      scf.for %scan3A_316 = %scan3A_265 to %scan3A_267 step %scan3A_268  : i32 {
        %mul3A_317 = arith.constant 16 : i32
        %mul3A_318 = arith.muli %scan3A_316, %mul3A_317 : i32
        %get3A = arith.index_cast %mul3A_318 : i32 to index
        %get3A_319 = tpu.vector_load %arg43[%get3A] {strides = array<i32>} : memref<1024xf32, #tpu.memory_space<vmem>>, vector<16xf32>,
        %get3A_320 = arith.index_cast %mul3A_318 : i32 to index
        %get3A_321 = tpu.vector_load %arg44[%get3A_320] {strides = array<i32>} : memref<1024xf32, #tpu.memory_space<vmem>>, vector<16xf32>,
        %get3A_322 = arith.index_cast %mul3A_318 : i32 to index
        %get3A_323 = tpu.vector_load %arg45[%get3A_322] {strides = array<i32>} : memref<1024xf32, #tpu.memory_space<vmem>>, vector<16xf32>,
        %sub3A_324 = arith.constant 1.000000e+00 : f32
        %sub3A_325 = vector.broadcast %sub3A_324 : f32 to vector<16xf32>
        %sub3A_326 = arith.subf %sub3A_325, %get3A_319 : vector<16xf32>
        %sub3A_327 = arith.constant 1.000000e+00 : f32
        %sub3A_328 = vector.broadcast %sub3A_327 : f32 to vector<16xf32>
        %sub3A_329 = arith.subf %sub3A_328, %get3A_321 : vector<16xf32>
        %sub3A_330 = arith.constant 1.000000e+00 : f32
        %sub3A_331 = vector.broadcast %sub3A_330 : f32 to vector<16xf32>
        %sub3A_332 = arith.subf %sub3A_331, %get3A_323 : vector<16xf32>
        %mul3A_333 = arith.mulf %get3A_319, %get3A_321 : vector<16xf32>
        %mul3A_334 = arith.mulf %get3A_319, %sub3A_329 : vector<16xf32>
        %mul3A_335 = arith.mulf %sub3A_326, %get3A_321 : vector<16xf32>
        %mul3A_336 = arith.mulf %sub3A_326, %sub3A_329 : vector<16xf32>
        %mul3A_337 = arith.mulf %mul3A_333, %get3A_323 : vector<16xf32>
        %get3A_338 = arith.index_cast %mul3A_318 : i32 to index
        %get3A_339 = tpu.vector_load %arg27[%get3A_338] {strides = array<i32>} : memref<1024xf32, #tpu.memory_space<vmem>>, vector<16xf32>,
        %mul3A_340 = arith.mulf %mul3A_337, %get3A_339 : vector<16xf32>
        %mul3A_341 = arith.mulf %mul3A_333, %sub3A_332 : vector<16xf32>
        %get3A_342 = arith.index_cast %mul3A_318 : i32 to index
        %get3A_343 = tpu.vector_load %arg28[%get3A_342] {strides = array<i32>} : memref<1024xf32, #tpu.memory_space<vmem>>, vector<16xf32>,
        %mul3A_344 = arith.mulf %mul3A_341, %get3A_343 : vector<16xf32>
        %add3A_345 = arith.addf %mul3A_340, %mul3A_344 : vector<16xf32>
        %mul3A_346 = arith.mulf %mul3A_334, %get3A_323 : vector<16xf32>
        %get3A_347 = arith.index_cast %mul3A_318 : i32 to index
        %get3A_348 = tpu.vector_load %arg29[%get3A_347] {strides = array<i32>} : memref<1024xf32, #tpu.memory_space<vmem>>, vector<16xf32>,
        %mul3A_349 = arith.mulf %mul3A_346, %get3A_348 : vector<16xf32>
        %add3A_350 = arith.addf %add3A_345, %mul3A_349 : vector<16xf32>
        %mul3A_351 = arith.mulf %mul3A_334, %sub3A_332 : vector<16xf32>
        %get3A_352 = arith.index_cast %mul3A_318 : i32 to index
        %get3A_353 = tpu.vector_load %arg30[%get3A_352] {strides = array<i32>} : memref<1024xf32, #tpu.memory_space<vmem>>, vector<16xf32>,
        %mul3A_354 = arith.mulf %mul3A_351, %get3A_353 : vector<16xf32>
        %add3A_355 = arith.addf %add3A_350, %mul3A_354 : vector<16xf32>
        %mul3A_356 = arith.mulf %mul3A_335, %get3A_323 : vector<16xf32>
        %get3A_357 = arith.index_cast %mul3A_318 : i32 to index
        %get3A_358 = tpu.vector_load %arg31[%get3A_357] {strides = array<i32>} : memref<1024xf32, #tpu.memory_space<vmem>>, vector<16xf32>,
        %mul3A_359 = arith.mulf %mul3A_356, %get3A_358 : vector<16xf32>
        %add3A_360 = arith.addf %add3A_355, %mul3A_359 : vector<16xf32>
        %mul3A_361 = arith.mulf %mul3A_335, %sub3A_332 : vector<16xf32>
        %get3A_362 = arith.index_cast %mul3A_318 : i32 to index
        %get3A_363 = tpu.vector_load %arg32[%get3A_362] {strides = array<i32>} : memref<1024xf32, #tpu.memory_space<vmem>>, vector<16xf32>,
        %mul3A_364 = arith.mulf %mul3A_361, %get3A_363 : vector<16xf32>
        %add3A_365 = arith.addf %add3A_360, %mul3A_364 : vector<16xf32>
        %mul3A_366 = arith.mulf %mul3A_336, %get3A_323 : vector<16xf32>
        %get3A_367 = arith.index_cast %mul3A_318 : i32 to index
        %get3A_368 = tpu.vector_load %arg33[%get3A_367] {strides = array<i32>} : memref<1024xf32, #tpu.memory_space<vmem>>, vector<16xf32>,
        %mul3A_369 = arith.mulf %mul3A_366, %get3A_368 : vector<16xf32>
        %add3A_370 = arith.addf %add3A_365, %mul3A_369 : vector<16xf32>
        %mul3A_371 = arith.mulf %mul3A_336, %sub3A_332 : vector<16xf32>
        %get3A_372 = arith.index_cast %mul3A_318 : i32 to index
        %get3A_373 = tpu.vector_load %arg34[%get3A_372] {strides = array<i32>} : memref<1024xf32, #tpu.memory_space<vmem>>, vector<16xf32>,
        %mul3A_374 = arith.mulf %mul3A_371, %get3A_373 : vector<16xf32>
        %add3A_375 = arith.addf %add3A_370, %mul3A_374 : vector<16xf32>
        %swap3A = arith.index_cast %mul3A_318 : i32 to index
        %swap3A_376 = tpu.vector_load %arg49[%swap3A] {strides = array<i32>} : memref<1024xf32, #tpu.memory_space<vmem>>, vector<16xf32>,
        tpu.vector_store %arg49[%swap3A], %add3A_375 {strides = array<i32>} : memref<1024xf32, #tpu.memory_space<vmem>>, vector<16xf32>,
      }
      %scan3A_269 = arith.constant 64 : i32
      %mul3A_270 = arith.constant 1024 : i32
      %mul3A_271 = arith.muli %mul3A_176, %mul3A_270 : i32
      %add3A_272 = arith.addi %mul3A_2, %mul3A_271 : i32
      %dma_start3A_273 = tpu.memref_slice %arg4[%add3A_272] : memref<4194304xf32, #tpu.memory_space<hbm>> -> memref<1024xf32, #tpu.memory_space<hbm>>
      %dma_start3A_274 = tpu.memref_slice %arg4[%add3A_272] : memref<4194304xf32, #tpu.memory_space<hbm>> -> memref<1024xf32, #tpu.memory_space<hbm>>
      tpu.enqueue_dma source(%arg49 : memref<1024xf32, #tpu.memory_space<vmem>>) target(%dma_start3A_274 : memref<1024xf32, #tpu.memory_space<hbm>>) target_semaphore(%arg55 : memref<!tpu.dma_semaphore, #tpu.memory_space<semaphore_mem>>)
      %add3A_275 = arith.constant 2 : i32
      %add3A_276 = arith.addi %mul3A_176, %add3A_275 : i32
      %lt3A_277 = arith.constant 128 : i32
      %lt3A_278 = arith.cmpi slt, %add3A_276, %lt3A_277 : i32
      %convert_element_type3A_279 = arith.extui %lt3A_278 : i1 to i32
      %cond3A_280 = arith.constant 0 : i32
      %cond3A_281 = arith.cmpi ne, %convert_element_type3A_279, %cond3A_280 : i32
      scf.if %cond3A_281 {
        %add3A_316 = arith.constant 2 : i32
        %add3A_317 = arith.addi %mul3A_176, %add3A_316 : i32
        %mul3A_318 = arith.constant 1024 : i32
        %mul3A_319 = arith.muli %add3A_317, %mul3A_318 : i32
        %add3A_320 = arith.addi %sub3A, %mul3A_319 : i32
        %mul3A_321 = arith.constant 1024 : i32
        %mul3A_322 = arith.muli %add3A_317, %mul3A_321 : i32
        %add3A_323 = arith.addi %mul3A_2, %mul3A_322 : i32
        %shift_right_arithmetic3A_324 = arith.constant 14 : i32
        %shift_right_arithmetic3A_325 = arith.shrsi %add3A_323, %shift_right_arithmetic3A_324 : i32
        %mul3A_326 = arith.constant 3 : i32
        %mul3A_327 = arith.muli %shift_right_arithmetic3A_325, %mul3A_326 : i32
        %mul3A_328 = arith.constant 1024 : i32
        %mul3A_329 = arith.muli %add3A_317, %mul3A_328 : i32
        %add3A_330 = arith.addi %sub3A, %mul3A_329 : i32
        %and3A_331 = arith.constant 16383 : i32
        %and3A_332 = arith.andi %add3A_330, %and3A_331 : i32
        %add3A_333 = arith.constant 0 : i32
        %add3A_334 = arith.addi %mul3A_327, %add3A_333 : i32
        %mul3A_335 = arith.constant 16384 : i32
        %mul3A_336 = arith.muli %add3A_334, %mul3A_335 : i32
        %add3A_337 = arith.addi %mul3A_336, %and3A_332 : i32
        %multiple_of3A_338 = tpu.assume_multiple %add3A_337, 8 : i32
        %add3A_339 = arith.constant 1 : i32
        %add3A_340 = arith.addi %mul3A_327, %add3A_339 : i32
        %mul3A_341 = arith.constant 16384 : i32
        %mul3A_342 = arith.muli %add3A_340, %mul3A_341 : i32
        %add3A_343 = arith.addi %mul3A_342, %and3A_332 : i32
        %multiple_of3A_344 = tpu.assume_multiple %add3A_343, 8 : i32
        %add3A_345 = arith.constant 2 : i32
        %add3A_346 = arith.addi %mul3A_327, %add3A_345 : i32
        %mul3A_347 = arith.constant 16384 : i32
        %mul3A_348 = arith.muli %add3A_346, %mul3A_347 : i32
        %add3A_349 = arith.addi %mul3A_348, %and3A_332 : i32
        %multiple_of3A_350 = tpu.assume_multiple %add3A_349, 8 : i32
        %dma_wait3A_351 = tpu.memref_slice %arg3[%multiple_of3A_338] : memref<12582912xf32, #tpu.memory_space<hbm>> -> memref<1024xf32, #tpu.memory_space<hbm>>
        %dma_wait3A_352 = tpu.memref_slice %arg3[%multiple_of3A_338] : memref<12582912xf32, #tpu.memory_space<hbm>> -> memref<1024xf32, #tpu.memory_space<hbm>>
        tpu.wait_dma2 semaphore(%arg53 : memref<!tpu.dma_semaphore, #tpu.memory_space<semaphore_mem>>) src(%dma_wait3A_352 : memref<1024xf32, #tpu.memory_space<hbm>>) dst(%arg5 : memref<1024xf32, #tpu.memory_space<vmem>>)
        %dma_wait3A_353 = tpu.memref_slice %arg3[%multiple_of3A_344] : memref<12582912xf32, #tpu.memory_space<hbm>> -> memref<1024xf32, #tpu.memory_space<hbm>>
        %dma_wait3A_354 = tpu.memref_slice %arg3[%multiple_of3A_344] : memref<12582912xf32, #tpu.memory_space<hbm>> -> memref<1024xf32, #tpu.memory_space<hbm>>
        tpu.wait_dma2 semaphore(%arg53 : memref<!tpu.dma_semaphore, #tpu.memory_space<semaphore_mem>>) src(%dma_wait3A_354 : memref<1024xf32, #tpu.memory_space<hbm>>) dst(%arg6 : memref<1024xf32, #tpu.memory_space<vmem>>)
        %dma_wait3A_355 = tpu.memref_slice %arg3[%multiple_of3A_350] : memref<12582912xf32, #tpu.memory_space<hbm>> -> memref<1024xf32, #tpu.memory_space<hbm>>
        %dma_wait3A_356 = tpu.memref_slice %arg3[%multiple_of3A_350] : memref<12582912xf32, #tpu.memory_space<hbm>> -> memref<1024xf32, #tpu.memory_space<hbm>>
        tpu.wait_dma2 semaphore(%arg53 : memref<!tpu.dma_semaphore, #tpu.memory_space<semaphore_mem>>) src(%dma_wait3A_356 : memref<1024xf32, #tpu.memory_space<hbm>>) dst(%arg7 : memref<1024xf32, #tpu.memory_space<vmem>>)
        %scan3A_357 = arith.constant 0 : i32
        %scan3A_358 = arith.constant 0 : i32
        %scan3A_359 = arith.constant 64 : i32
        %scan3A_360 = arith.addi %scan3A_358, %scan3A_359 : i32
        %scan3A_361 = arith.constant 1 : i32
        scf.for %scan3A_386 = %scan3A_358 to %scan3A_360 step %scan3A_361  : i32 {
          %mul3A_387 = arith.constant 16 : i32
          %mul3A_388 = arith.muli %scan3A_386, %mul3A_387 : i32
          %add3A_389 = arith.addi %add3A_320, %mul3A_388 : i32
          %add3A_390 = vector.broadcast %add3A_389 : i32 to vector<16xi32>
          %add3A_391 = arith.addi %add3A_390, %iota3A : vector<16xi32>
          %and3A_392 = arith.constant 127 : i32
          %and3A_393 = vector.broadcast %and3A_392 : i32 to vector<16xi32>
          %and3A_394 = arith.andi %add3A_391, %and3A_393 : vector<16xi32>
          %shift_right_arithmetic3A_395 = arith.constant 7 : i32
          %shift_right_arithmetic3A_396 = vector.broadcast %shift_right_arithmetic3A_395 : i32 to vector<16xi32>
          %shift_right_arithmetic3A_397 = arith.shrsi %add3A_391, %shift_right_arithmetic3A_396 : vector<16xi32>
          %and3A_398 = arith.constant 127 : i32
          %and3A_399 = vector.broadcast %and3A_398 : i32 to vector<16xi32>
          %and3A_400 = arith.andi %shift_right_arithmetic3A_397, %and3A_399 : vector<16xi32>
          %shift_right_arithmetic3A_401 = arith.constant 14 : i32
          %shift_right_arithmetic3A_402 = vector.broadcast %shift_right_arithmetic3A_401 : i32 to vector<16xi32>
          %shift_right_arithmetic3A_403 = arith.shrsi %add3A_391, %shift_right_arithmetic3A_402 : vector<16xi32>
          %and3A_404 = arith.constant 127 : i32
          %and3A_405 = vector.broadcast %and3A_404 : i32 to vector<16xi32>
          %and3A_406 = arith.andi %shift_right_arithmetic3A_403, %and3A_405 : vector<16xi32>
          %mul3A_407 = arith.constant 16 : i32
          %mul3A_408 = arith.muli %scan3A_386, %mul3A_407 : i32
          %get3A = arith.index_cast %mul3A_408 : i32 to index
          %get3A_409 = tpu.vector_load %arg5[%get3A] {strides = array<i32>} : memref<1024xf32, #tpu.memory_space<vmem>>, vector<16xf32>,
          %convert_element_type3A_410 = arith.sitofp %and3A_406 : vector<16xi32> to vector<16xf32>
          %add3A_411 = arith.addf %convert_element_type3A_410, %get3A_409 : vector<16xf32>
          %jit3A = arith.constant 0.000000e+00 : f32
          %jit3A_412 = arith.constant 1.270000e+02 : f32
          %max3A = vector.broadcast %jit3A : f32 to vector<16xf32>
          %max3A_413 = arith.maximumf %max3A, %add3A_411 : vector<16xf32>
          %min3A = vector.broadcast %jit3A_412 : f32 to vector<16xf32>
          %min3A_414 = arith.minimumf %min3A, %max3A_413 : vector<16xf32>
          %convert_element_type3A_415 = arith.fptosi %min3A_414 : vector<16xf32> to vector<16xi32>
          %convert_element_type3A_416 = arith.sitofp %convert_element_type3A_415 : vector<16xi32> to vector<16xf32>
          %add3A_417 = arith.constant 1.000000e+00 : f32
          %add3A_418 = vector.broadcast %add3A_417 : f32 to vector<16xf32>
          %add3A_419 = arith.addf %convert_element_type3A_416, %add3A_418 : vector<16xf32>
          %min3A_420 = arith.constant 1.270000e+02 : f32
          %min3A_421 = vector.broadcast %min3A_420 : f32 to vector<16xf32>
          %min3A_422 = arith.minimumf %add3A_419, %min3A_421 : vector<16xf32>
          %sub3A_423 = arith.subf %min3A_422, %min3A_414 : vector<16xf32>
          %add3A_424 = arith.constant 1 : i32
          %add3A_425 = vector.broadcast %add3A_424 : i32 to vector<16xi32>
          %add3A_426 = arith.addi %convert_element_type3A_415, %add3A_425 : vector<16xi32>
          %min3A_427 = arith.constant 127 : i32
          %min3A_428 = vector.broadcast %min3A_427 : i32 to vector<16xi32>
          %min3A_429 = arith.minsi %add3A_426, %min3A_428 : vector<16xi32>
          %get3A_430 = arith.index_cast %mul3A_408 : i32 to index
          %get3A_431 = tpu.vector_load %arg6[%get3A_430] {strides = array<i32>} : memref<1024xf32, #tpu.memory_space<vmem>>, vector<16xf32>,
          %convert_element_type3A_432 = arith.sitofp %and3A_400 : vector<16xi32> to vector<16xf32>
          %add3A_433 = arith.addf %convert_element_type3A_432, %get3A_431 : vector<16xf32>
          %jit3A_434 = arith.constant 0.000000e+00 : f32
          %jit3A_435 = arith.constant 1.270000e+02 : f32
          %max3A_436 = vector.broadcast %jit3A_434 : f32 to vector<16xf32>
          %max3A_437 = arith.maximumf %max3A_436, %add3A_433 : vector<16xf32>
          %min3A_438 = vector.broadcast %jit3A_435 : f32 to vector<16xf32>
          %min3A_439 = arith.minimumf %min3A_438, %max3A_437 : vector<16xf32>
          %convert_element_type3A_440 = arith.fptosi %min3A_439 : vector<16xf32> to vector<16xi32>
          %convert_element_type3A_441 = arith.sitofp %convert_element_type3A_440 : vector<16xi32> to vector<16xf32>
          %add3A_442 = arith.constant 1.000000e+00 : f32
          %add3A_443 = vector.broadcast %add3A_442 : f32 to vector<16xf32>
          %add3A_444 = arith.addf %convert_element_type3A_441, %add3A_443 : vector<16xf32>
          %min3A_445 = arith.constant 1.270000e+02 : f32
          %min3A_446 = vector.broadcast %min3A_445 : f32 to vector<16xf32>
          %min3A_447 = arith.minimumf %add3A_444, %min3A_446 : vector<16xf32>
          %sub3A_448 = arith.subf %min3A_447, %min3A_439 : vector<16xf32>
          %add3A_449 = arith.constant 1 : i32
          %add3A_450 = vector.broadcast %add3A_449 : i32 to vector<16xi32>
          %add3A_451 = arith.addi %convert_element_type3A_440, %add3A_450 : vector<16xi32>
          %min3A_452 = arith.constant 127 : i32
          %min3A_453 = vector.broadcast %min3A_452 : i32 to vector<16xi32>
          %min3A_454 = arith.minsi %add3A_451, %min3A_453 : vector<16xi32>
          %get3A_455 = arith.index_cast %mul3A_408 : i32 to index
          %get3A_456 = tpu.vector_load %arg7[%get3A_455] {strides = array<i32>} : memref<1024xf32, #tpu.memory_space<vmem>>, vector<16xf32>,
          %convert_element_type3A_457 = arith.sitofp %and3A_394 : vector<16xi32> to vector<16xf32>
          %add3A_458 = arith.addf %convert_element_type3A_457, %get3A_456 : vector<16xf32>
          %jit3A_459 = arith.constant 0.000000e+00 : f32
          %jit3A_460 = arith.constant 1.270000e+02 : f32
          %max3A_461 = vector.broadcast %jit3A_459 : f32 to vector<16xf32>
          %max3A_462 = arith.maximumf %max3A_461, %add3A_458 : vector<16xf32>
          %min3A_463 = vector.broadcast %jit3A_460 : f32 to vector<16xf32>
          %min3A_464 = arith.minimumf %min3A_463, %max3A_462 : vector<16xf32>
          %convert_element_type3A_465 = arith.fptosi %min3A_464 : vector<16xf32> to vector<16xi32>
          %convert_element_type3A_466 = arith.sitofp %convert_element_type3A_465 : vector<16xi32> to vector<16xf32>
          %add3A_467 = arith.constant 1.000000e+00 : f32
          %add3A_468 = vector.broadcast %add3A_467 : f32 to vector<16xf32>
          %add3A_469 = arith.addf %convert_element_type3A_466, %add3A_468 : vector<16xf32>
          %min3A_470 = arith.constant 1.270000e+02 : f32
          %min3A_471 = vector.broadcast %min3A_470 : f32 to vector<16xf32>
          %min3A_472 = arith.minimumf %add3A_469, %min3A_471 : vector<16xf32>
          %sub3A_473 = arith.subf %min3A_472, %min3A_464 : vector<16xf32>
          %add3A_474 = arith.constant 1 : i32
          %add3A_475 = vector.broadcast %add3A_474 : i32 to vector<16xi32>
          %add3A_476 = arith.addi %convert_element_type3A_465, %add3A_475 : vector<16xi32>
          %min3A_477 = arith.constant 127 : i32
          %min3A_478 = vector.broadcast %min3A_477 : i32 to vector<16xi32>
          %min3A_479 = arith.minsi %add3A_476, %min3A_478 : vector<16xi32>
          %swap3A = arith.index_cast %mul3A_408 : i32 to index
          %swap3A_480 = tpu.vector_load %arg43[%swap3A] {strides = array<i32>} : memref<1024xf32, #tpu.memory_space<vmem>>, vector<16xf32>,
          tpu.vector_store %arg43[%swap3A], %sub3A_423 {strides = array<i32>} : memref<1024xf32, #tpu.memory_space<vmem>>, vector<16xf32>,
          %swap3A_481 = arith.index_cast %mul3A_408 : i32 to index
          %swap3A_482 = tpu.vector_load %arg44[%swap3A_481] {strides = array<i32>} : memref<1024xf32, #tpu.memory_space<vmem>>, vector<16xf32>,
          tpu.vector_store %arg44[%swap3A_481], %sub3A_448 {strides = array<i32>} : memref<1024xf32, #tpu.memory_space<vmem>>, vector<16xf32>,
          %swap3A_483 = arith.index_cast %mul3A_408 : i32 to index
          %swap3A_484 = tpu.vector_load %arg45[%swap3A_483] {strides = array<i32>} : memref<1024xf32, #tpu.memory_space<vmem>>, vector<16xf32>,
          tpu.vector_store %arg45[%swap3A_483], %sub3A_473 {strides = array<i32>} : memref<1024xf32, #tpu.memory_space<vmem>>, vector<16xf32>,
          %shift_left3A_485 = arith.constant 14 : i32
          %shift_left3A_486 = vector.broadcast %shift_left3A_485 : i32 to vector<16xi32>
          %shift_left3A_487 = arith.shli %convert_element_type3A_415, %shift_left3A_486 : vector<16xi32>
          %add3A_488 = vector.broadcast %shift_left3A_4 : i32 to vector<16xi32>
          %add3A_489 = arith.addi %add3A_488, %shift_left3A_487 : vector<16xi32>
          %shift_left3A_490 = arith.constant 14 : i32
          %shift_left3A_491 = vector.broadcast %shift_left3A_490 : i32 to vector<16xi32>
          %shift_left3A_492 = arith.shli %min3A_429, %shift_left3A_491 : vector<16xi32>
          %add3A_493 = vector.broadcast %shift_left3A_4 : i32 to vector<16xi32>
          %add3A_494 = arith.addi %add3A_493, %shift_left3A_492 : vector<16xi32>
          %shift_left3A_495 = arith.constant 7 : i32
          %shift_left3A_496 = vector.broadcast %shift_left3A_495 : i32 to vector<16xi32>
          %shift_left3A_497 = arith.shli %convert_element_type3A_440, %shift_left3A_496 : vector<16xi32>
          %shift_left3A_498 = arith.constant 7 : i32
          %shift_left3A_499 = vector.broadcast %shift_left3A_498 : i32 to vector<16xi32>
          %shift_left3A_500 = arith.shli %min3A_454, %shift_left3A_499 : vector<16xi32>
          %add3A_501 = arith.addi %add3A_489, %shift_left3A_497 : vector<16xi32>
          %add3A_502 = arith.addi %add3A_501, %convert_element_type3A_465 : vector<16xi32>
          %swap3A_503 = arith.index_cast %mul3A_408 : i32 to index
          %swap3A_504 = tpu.vector_load %arg11[%swap3A_503] {strides = array<i32>} : memref<1024xi32, #tpu.memory_space<vmem>>, vector<16xi32>,
          tpu.vector_store %arg11[%swap3A_503], %add3A_502 {strides = array<i32>} : memref<1024xi32, #tpu.memory_space<vmem>>, vector<16xi32>,
          %add3A_505 = arith.addi %add3A_489, %shift_left3A_497 : vector<16xi32>
          %add3A_506 = arith.addi %add3A_505, %min3A_479 : vector<16xi32>
          %swap3A_507 = arith.index_cast %mul3A_408 : i32 to index
          %swap3A_508 = tpu.vector_load %arg12[%swap3A_507] {strides = array<i32>} : memref<1024xi32, #tpu.memory_space<vmem>>, vector<16xi32>,
          tpu.vector_store %arg12[%swap3A_507], %add3A_506 {strides = array<i32>} : memref<1024xi32, #tpu.memory_space<vmem>>, vector<16xi32>,
          %add3A_509 = arith.addi %add3A_489, %shift_left3A_500 : vector<16xi32>
          %add3A_510 = arith.addi %add3A_509, %convert_element_type3A_465 : vector<16xi32>
          %swap3A_511 = arith.index_cast %mul3A_408 : i32 to index
          %swap3A_512 = tpu.vector_load %arg13[%swap3A_511] {strides = array<i32>} : memref<1024xi32, #tpu.memory_space<vmem>>, vector<16xi32>,
          tpu.vector_store %arg13[%swap3A_511], %add3A_510 {strides = array<i32>} : memref<1024xi32, #tpu.memory_space<vmem>>, vector<16xi32>,
          %add3A_513 = arith.addi %add3A_489, %shift_left3A_500 : vector<16xi32>
          %add3A_514 = arith.addi %add3A_513, %min3A_479 : vector<16xi32>
          %swap3A_515 = arith.index_cast %mul3A_408 : i32 to index
          %swap3A_516 = tpu.vector_load %arg14[%swap3A_515] {strides = array<i32>} : memref<1024xi32, #tpu.memory_space<vmem>>, vector<16xi32>,
          tpu.vector_store %arg14[%swap3A_515], %add3A_514 {strides = array<i32>} : memref<1024xi32, #tpu.memory_space<vmem>>, vector<16xi32>,
          %add3A_517 = arith.addi %add3A_494, %shift_left3A_497 : vector<16xi32>
          %add3A_518 = arith.addi %add3A_517, %convert_element_type3A_465 : vector<16xi32>
          %swap3A_519 = arith.index_cast %mul3A_408 : i32 to index
          %swap3A_520 = tpu.vector_load %arg15[%swap3A_519] {strides = array<i32>} : memref<1024xi32, #tpu.memory_space<vmem>>, vector<16xi32>,
          tpu.vector_store %arg15[%swap3A_519], %add3A_518 {strides = array<i32>} : memref<1024xi32, #tpu.memory_space<vmem>>, vector<16xi32>,
          %add3A_521 = arith.addi %add3A_494, %shift_left3A_497 : vector<16xi32>
          %add3A_522 = arith.addi %add3A_521, %min3A_479 : vector<16xi32>
          %swap3A_523 = arith.index_cast %mul3A_408 : i32 to index
          %swap3A_524 = tpu.vector_load %arg16[%swap3A_523] {strides = array<i32>} : memref<1024xi32, #tpu.memory_space<vmem>>, vector<16xi32>,
          tpu.vector_store %arg16[%swap3A_523], %add3A_522 {strides = array<i32>} : memref<1024xi32, #tpu.memory_space<vmem>>, vector<16xi32>,
          %add3A_525 = arith.addi %add3A_494, %shift_left3A_500 : vector<16xi32>
          %add3A_526 = arith.addi %add3A_525, %convert_element_type3A_465 : vector<16xi32>
          %swap3A_527 = arith.index_cast %mul3A_408 : i32 to index
          %swap3A_528 = tpu.vector_load %arg17[%swap3A_527] {strides = array<i32>} : memref<1024xi32, #tpu.memory_space<vmem>>, vector<16xi32>,
          tpu.vector_store %arg17[%swap3A_527], %add3A_526 {strides = array<i32>} : memref<1024xi32, #tpu.memory_space<vmem>>, vector<16xi32>,
          %add3A_529 = arith.addi %add3A_494, %shift_left3A_500 : vector<16xi32>
          %add3A_530 = arith.addi %add3A_529, %min3A_479 : vector<16xi32>
          %swap3A_531 = arith.index_cast %mul3A_408 : i32 to index
          %swap3A_532 = tpu.vector_load %arg18[%swap3A_531] {strides = array<i32>} : memref<1024xi32, #tpu.memory_space<vmem>>, vector<16xi32>,
          tpu.vector_store %arg18[%swap3A_531], %add3A_530 {strides = array<i32>} : memref<1024xi32, #tpu.memory_space<vmem>>, vector<16xi32>,
        }
        %scan3A_362 = arith.constant 64 : i32
        %dma_start3A_363 = arith.constant 0 : i32
        %dma_start3A_364 = tpu.memref_slice %arg2[%dma_start3A_363] : memref<4194304xf32, #tpu.memory_space<hbm>> -> memref<4194304xf32, #tpu.memory_space<hbm>>
        tpu.enqueue_indirect_dma source(%dma_start3A_364 : memref<4194304xf32, #tpu.memory_space<hbm>>) target(%arg27 : memref<1024xf32, #tpu.memory_space<vmem>>) offsets(%arg11 : memref<1024xi32, #tpu.memory_space<vmem>>) semaphore(%arg51 : memref<!tpu.dma_semaphore, #tpu.memory_space<semaphore_mem>>)
        %dma_start3A_365 = arith.constant 0 : i32
        %dma_start3A_366 = tpu.memref_slice %arg2[%dma_start3A_365] : memref<4194304xf32, #tpu.memory_space<hbm>> -> memref<4194304xf32, #tpu.memory_space<hbm>>
        tpu.enqueue_indirect_dma source(%dma_start3A_366 : memref<4194304xf32, #tpu.memory_space<hbm>>) target(%arg28 : memref<1024xf32, #tpu.memory_space<vmem>>) offsets(%arg12 : memref<1024xi32, #tpu.memory_space<vmem>>) semaphore(%arg51 : memref<!tpu.dma_semaphore, #tpu.memory_space<semaphore_mem>>)
        %dma_start3A_367 = arith.constant 0 : i32
        %dma_start3A_368 = tpu.memref_slice %arg2[%dma_start3A_367] : memref<4194304xf32, #tpu.memory_space<hbm>> -> memref<4194304xf32, #tpu.memory_space<hbm>>
        tpu.enqueue_indirect_dma source(%dma_start3A_368 : memref<4194304xf32, #tpu.memory_space<hbm>>) target(%arg29 : memref<1024xf32, #tpu.memory_space<vmem>>) offsets(%arg13 : memref<1024xi32, #tpu.memory_space<vmem>>) semaphore(%arg51 : memref<!tpu.dma_semaphore, #tpu.memory_space<semaphore_mem>>)
        %dma_start3A_369 = arith.constant 0 : i32
        %dma_start3A_370 = tpu.memref_slice %arg2[%dma_start3A_369] : memref<4194304xf32, #tpu.memory_space<hbm>> -> memref<4194304xf32, #tpu.memory_space<hbm>>
        tpu.enqueue_indirect_dma source(%dma_start3A_370 : memref<4194304xf32, #tpu.memory_space<hbm>>) target(%arg30 : memref<1024xf32, #tpu.memory_space<vmem>>) offsets(%arg14 : memref<1024xi32, #tpu.memory_space<vmem>>) semaphore(%arg51 : memref<!tpu.dma_semaphore, #tpu.memory_space<semaphore_mem>>)
        %dma_start3A_371 = arith.constant 0 : i32
        %dma_start3A_372 = tpu.memref_slice %arg2[%dma_start3A_371] : memref<4194304xf32, #tpu.memory_space<hbm>> -> memref<4194304xf32, #tpu.memory_space<hbm>>
        tpu.enqueue_indirect_dma source(%dma_start3A_372 : memref<4194304xf32, #tpu.memory_space<hbm>>) target(%arg31 : memref<1024xf32, #tpu.memory_space<vmem>>) offsets(%arg15 : memref<1024xi32, #tpu.memory_space<vmem>>) semaphore(%arg51 : memref<!tpu.dma_semaphore, #tpu.memory_space<semaphore_mem>>)
        %dma_start3A_373 = arith.constant 0 : i32
        %dma_start3A_374 = tpu.memref_slice %arg2[%dma_start3A_373] : memref<4194304xf32, #tpu.memory_space<hbm>> -> memref<4194304xf32, #tpu.memory_space<hbm>>
        tpu.enqueue_indirect_dma source(%dma_start3A_374 : memref<4194304xf32, #tpu.memory_space<hbm>>) target(%arg32 : memref<1024xf32, #tpu.memory_space<vmem>>) offsets(%arg16 : memref<1024xi32, #tpu.memory_space<vmem>>) semaphore(%arg51 : memref<!tpu.dma_semaphore, #tpu.memory_space<semaphore_mem>>)
        %dma_start3A_375 = arith.constant 0 : i32
        %dma_start3A_376 = tpu.memref_slice %arg2[%dma_start3A_375] : memref<4194304xf32, #tpu.memory_space<hbm>> -> memref<4194304xf32, #tpu.memory_space<hbm>>
        tpu.enqueue_indirect_dma source(%dma_start3A_376 : memref<4194304xf32, #tpu.memory_space<hbm>>) target(%arg33 : memref<1024xf32, #tpu.memory_space<vmem>>) offsets(%arg17 : memref<1024xi32, #tpu.memory_space<vmem>>) semaphore(%arg51 : memref<!tpu.dma_semaphore, #tpu.memory_space<semaphore_mem>>)
        %dma_start3A_377 = arith.constant 0 : i32
        %dma_start3A_378 = tpu.memref_slice %arg2[%dma_start3A_377] : memref<4194304xf32, #tpu.memory_space<hbm>> -> memref<4194304xf32, #tpu.memory_space<hbm>>
        tpu.enqueue_indirect_dma source(%dma_start3A_378 : memref<4194304xf32, #tpu.memory_space<hbm>>) target(%arg34 : memref<1024xf32, #tpu.memory_space<vmem>>) offsets(%arg18 : memref<1024xi32, #tpu.memory_space<vmem>>) semaphore(%arg51 : memref<!tpu.dma_semaphore, #tpu.memory_space<semaphore_mem>>)
        %add3A_379 = arith.constant 4 : i32
        %add3A_380 = arith.addi %mul3A_176, %add3A_379 : i32
        %lt3A_381 = arith.constant 128 : i32
        %lt3A_382 = arith.cmpi slt, %add3A_380, %lt3A_381 : i32
        %convert_element_type3A_383 = arith.extui %lt3A_382 : i1 to i32
        %cond3A_384 = arith.constant 0 : i32
        %cond3A_385 = arith.cmpi ne, %convert_element_type3A_383, %cond3A_384 : i32
        scf.if %cond3A_385 {
          %add3A_386 = arith.constant 4 : i32
          %add3A_387 = arith.addi %mul3A_176, %add3A_386 : i32
          %mul3A_388 = arith.constant 1024 : i32
          %mul3A_389 = arith.muli %add3A_387, %mul3A_388 : i32
          %add3A_390 = arith.addi %mul3A_2, %mul3A_389 : i32
          %shift_right_arithmetic3A_391 = arith.constant 14 : i32
          %shift_right_arithmetic3A_392 = arith.shrsi %add3A_390, %shift_right_arithmetic3A_391 : i32
          %mul3A_393 = arith.constant 3 : i32
          %mul3A_394 = arith.muli %shift_right_arithmetic3A_392, %mul3A_393 : i32
          %mul3A_395 = arith.constant 1024 : i32
          %mul3A_396 = arith.muli %add3A_387, %mul3A_395 : i32
          %add3A_397 = arith.addi %sub3A, %mul3A_396 : i32
          %and3A_398 = arith.constant 16383 : i32
          %and3A_399 = arith.andi %add3A_397, %and3A_398 : i32
          %add3A_400 = arith.constant 0 : i32
          %add3A_401 = arith.addi %mul3A_394, %add3A_400 : i32
          %mul3A_402 = arith.constant 16384 : i32
          %mul3A_403 = arith.muli %add3A_401, %mul3A_402 : i32
          %add3A_404 = arith.addi %mul3A_403, %and3A_399 : i32
          %multiple_of3A_405 = tpu.assume_multiple %add3A_404, 8 : i32
          %add3A_406 = arith.constant 1 : i32
          %add3A_407 = arith.addi %mul3A_394, %add3A_406 : i32
          %mul3A_408 = arith.constant 16384 : i32
          %mul3A_409 = arith.muli %add3A_407, %mul3A_408 : i32
          %add3A_410 = arith.addi %mul3A_409, %and3A_399 : i32
          %multiple_of3A_411 = tpu.assume_multiple %add3A_410, 8 : i32
          %add3A_412 = arith.constant 2 : i32
          %add3A_413 = arith.addi %mul3A_394, %add3A_412 : i32
          %mul3A_414 = arith.constant 16384 : i32
          %mul3A_415 = arith.muli %add3A_413, %mul3A_414 : i32
          %add3A_416 = arith.addi %mul3A_415, %and3A_399 : i32
          %multiple_of3A_417 = tpu.assume_multiple %add3A_416, 8 : i32
          %dma_start3A_418 = tpu.memref_slice %arg3[%multiple_of3A_405] : memref<12582912xf32, #tpu.memory_space<hbm>> -> memref<1024xf32, #tpu.memory_space<hbm>>
          %dma_start3A_419 = tpu.memref_slice %arg3[%multiple_of3A_405] : memref<12582912xf32, #tpu.memory_space<hbm>> -> memref<1024xf32, #tpu.memory_space<hbm>>
          tpu.enqueue_dma source(%dma_start3A_419 : memref<1024xf32, #tpu.memory_space<hbm>>) target(%arg5 : memref<1024xf32, #tpu.memory_space<vmem>>) target_semaphore(%arg53 : memref<!tpu.dma_semaphore, #tpu.memory_space<semaphore_mem>>)
          %dma_start3A_420 = tpu.memref_slice %arg3[%multiple_of3A_411] : memref<12582912xf32, #tpu.memory_space<hbm>> -> memref<1024xf32, #tpu.memory_space<hbm>>
          %dma_start3A_421 = tpu.memref_slice %arg3[%multiple_of3A_411] : memref<12582912xf32, #tpu.memory_space<hbm>> -> memref<1024xf32, #tpu.memory_space<hbm>>
          tpu.enqueue_dma source(%dma_start3A_421 : memref<1024xf32, #tpu.memory_space<hbm>>) target(%arg6 : memref<1024xf32, #tpu.memory_space<vmem>>) target_semaphore(%arg53 : memref<!tpu.dma_semaphore, #tpu.memory_space<semaphore_mem>>)
          %dma_start3A_422 = tpu.memref_slice %arg3[%multiple_of3A_417] : memref<12582912xf32, #tpu.memory_space<hbm>> -> memref<1024xf32, #tpu.memory_space<hbm>>
          %dma_start3A_423 = tpu.memref_slice %arg3[%multiple_of3A_417] : memref<12582912xf32, #tpu.memory_space<hbm>> -> memref<1024xf32, #tpu.memory_space<hbm>>
          tpu.enqueue_dma source(%dma_start3A_423 : memref<1024xf32, #tpu.memory_space<hbm>>) target(%arg7 : memref<1024xf32, #tpu.memory_space<vmem>>) target_semaphore(%arg53 : memref<!tpu.dma_semaphore, #tpu.memory_space<semaphore_mem>>)
        } else {
        }
      } else {
      }
      %add3A_282 = arith.constant 1 : i32
      %add3A_283 = arith.addi %mul3A_176, %add3A_282 : i32
      %dma_wait3A_284 = arith.constant 0 : i32
      %dma_wait3A_285 = tpu.memref_slice %arg2[%dma_wait3A_284] : memref<4194304xf32, #tpu.memory_space<hbm>> -> memref<4194304xf32, #tpu.memory_space<hbm>>
      tpu.wait_indirect_dma semaphore(%arg52 : memref<!tpu.dma_semaphore, #tpu.memory_space<semaphore_mem>>) src(%dma_wait3A_285 : memref<4194304xf32, #tpu.memory_space<hbm>>) dst(%arg35 : memref<1024xf32, #tpu.memory_space<vmem>>)
      %dma_wait3A_286 = arith.constant 0 : i32
      %dma_wait3A_287 = tpu.memref_slice %arg2[%dma_wait3A_286] : memref<4194304xf32, #tpu.memory_space<hbm>> -> memref<4194304xf32, #tpu.memory_space<hbm>>
      tpu.wait_indirect_dma semaphore(%arg52 : memref<!tpu.dma_semaphore, #tpu.memory_space<semaphore_mem>>) src(%dma_wait3A_287 : memref<4194304xf32, #tpu.memory_space<hbm>>) dst(%arg36 : memref<1024xf32, #tpu.memory_space<vmem>>)
      %dma_wait3A_288 = arith.constant 0 : i32
      %dma_wait3A_289 = tpu.memref_slice %arg2[%dma_wait3A_288] : memref<4194304xf32, #tpu.memory_space<hbm>> -> memref<4194304xf32, #tpu.memory_space<hbm>>
      tpu.wait_indirect_dma semaphore(%arg52 : memref<!tpu.dma_semaphore, #tpu.memory_space<semaphore_mem>>) src(%dma_wait3A_289 : memref<4194304xf32, #tpu.memory_space<hbm>>) dst(%arg37 : memref<1024xf32, #tpu.memory_space<vmem>>)
      %dma_wait3A_290 = arith.constant 0 : i32
      %dma_wait3A_291 = tpu.memref_slice %arg2[%dma_wait3A_290] : memref<4194304xf32, #tpu.memory_space<hbm>> -> memref<4194304xf32, #tpu.memory_space<hbm>>
      tpu.wait_indirect_dma semaphore(%arg52 : memref<!tpu.dma_semaphore, #tpu.memory_space<semaphore_mem>>) src(%dma_wait3A_291 : memref<4194304xf32, #tpu.memory_space<hbm>>) dst(%arg38 : memref<1024xf32, #tpu.memory_space<vmem>>)
      %dma_wait3A_292 = arith.constant 0 : i32
      %dma_wait3A_293 = tpu.memref_slice %arg2[%dma_wait3A_292] : memref<4194304xf32, #tpu.memory_space<hbm>> -> memref<4194304xf32, #tpu.memory_space<hbm>>
      tpu.wait_indirect_dma semaphore(%arg52 : memref<!tpu.dma_semaphore, #tpu.memory_space<semaphore_mem>>) src(%dma_wait3A_293 : memref<4194304xf32, #tpu.memory_space<hbm>>) dst(%arg39 : memref<1024xf32, #tpu.memory_space<vmem>>)
      %dma_wait3A_294 = arith.constant 0 : i32
      %dma_wait3A_295 = tpu.memref_slice %arg2[%dma_wait3A_294] : memref<4194304xf32, #tpu.memory_space<hbm>> -> memref<4194304xf32, #tpu.memory_space<hbm>>
      tpu.wait_indirect_dma semaphore(%arg52 : memref<!tpu.dma_semaphore, #tpu.memory_space<semaphore_mem>>) src(%dma_wait3A_295 : memref<4194304xf32, #tpu.memory_space<hbm>>) dst(%arg40 : memref<1024xf32, #tpu.memory_space<vmem>>)
      %dma_wait3A_296 = arith.constant 0 : i32
      %dma_wait3A_297 = tpu.memref_slice %arg2[%dma_wait3A_296] : memref<4194304xf32, #tpu.memory_space<hbm>> -> memref<4194304xf32, #tpu.memory_space<hbm>>
      tpu.wait_indirect_dma semaphore(%arg52 : memref<!tpu.dma_semaphore, #tpu.memory_space<semaphore_mem>>) src(%dma_wait3A_297 : memref<4194304xf32, #tpu.memory_space<hbm>>) dst(%arg41 : memref<1024xf32, #tpu.memory_space<vmem>>)
      %dma_wait3A_298 = arith.constant 0 : i32
      %dma_wait3A_299 = tpu.memref_slice %arg2[%dma_wait3A_298] : memref<4194304xf32, #tpu.memory_space<hbm>> -> memref<4194304xf32, #tpu.memory_space<hbm>>
      tpu.wait_indirect_dma semaphore(%arg52 : memref<!tpu.dma_semaphore, #tpu.memory_space<semaphore_mem>>) src(%dma_wait3A_299 : memref<4194304xf32, #tpu.memory_space<hbm>>) dst(%arg42 : memref<1024xf32, #tpu.memory_space<vmem>>)
      %ge3A_300 = arith.constant 2 : i32
      %ge3A_301 = arith.cmpi sge, %add3A_283, %ge3A_300 : i32
      %convert_element_type3A_302 = arith.extui %ge3A_301 : i1 to i32
      %cond3A_303 = arith.constant 0 : i32
      %cond3A_304 = arith.cmpi ne, %convert_element_type3A_302, %cond3A_303 : i32
      scf.if %cond3A_304 {
        %sub3A_316 = arith.constant 2 : i32
        %sub3A_317 = arith.subi %add3A_283, %sub3A_316 : i32
        %mul3A_318 = arith.constant 1024 : i32
        %mul3A_319 = arith.muli %sub3A_317, %mul3A_318 : i32
        %add3A_320 = arith.addi %mul3A_2, %mul3A_319 : i32
        %dma_wait3A_321 = tpu.memref_slice %arg4[%add3A_320] : memref<4194304xf32, #tpu.memory_space<hbm>> -> memref<1024xf32, #tpu.memory_space<hbm>>
        %dma_wait3A_322 = tpu.memref_slice %arg4[%add3A_320] : memref<4194304xf32, #tpu.memory_space<hbm>> -> memref<1024xf32, #tpu.memory_space<hbm>>
        tpu.wait_dma2 semaphore(%arg56 : memref<!tpu.dma_semaphore, #tpu.memory_space<semaphore_mem>>) src(%arg50 : memref<1024xf32, #tpu.memory_space<vmem>>) dst(%dma_wait3A_322 : memref<1024xf32, #tpu.memory_space<hbm>>)
      } else {
      }
      %scan3A_305 = arith.constant 0 : i32
      %scan3A_306 = arith.constant 0 : i32
      %scan3A_307 = arith.constant 64 : i32
      %scan3A_308 = arith.addi %scan3A_306, %scan3A_307 : i32
      %scan3A_309 = arith.constant 1 : i32
      scf.for %scan3A_316 = %scan3A_306 to %scan3A_308 step %scan3A_309  : i32 {
        %mul3A_317 = arith.constant 16 : i32
        %mul3A_318 = arith.muli %scan3A_316, %mul3A_317 : i32
        %get3A = arith.index_cast %mul3A_318 : i32 to index
        %get3A_319 = tpu.vector_load %arg46[%get3A] {strides = array<i32>} : memref<1024xf32, #tpu.memory_space<vmem>>, vector<16xf32>,
        %get3A_320 = arith.index_cast %mul3A_318 : i32 to index
        %get3A_321 = tpu.vector_load %arg47[%get3A_320] {strides = array<i32>} : memref<1024xf32, #tpu.memory_space<vmem>>, vector<16xf32>,
        %get3A_322 = arith.index_cast %mul3A_318 : i32 to index
        %get3A_323 = tpu.vector_load %arg48[%get3A_322] {strides = array<i32>} : memref<1024xf32, #tpu.memory_space<vmem>>, vector<16xf32>,
        %sub3A_324 = arith.constant 1.000000e+00 : f32
        %sub3A_325 = vector.broadcast %sub3A_324 : f32 to vector<16xf32>
        %sub3A_326 = arith.subf %sub3A_325, %get3A_319 : vector<16xf32>
        %sub3A_327 = arith.constant 1.000000e+00 : f32
        %sub3A_328 = vector.broadcast %sub3A_327 : f32 to vector<16xf32>
        %sub3A_329 = arith.subf %sub3A_328, %get3A_321 : vector<16xf32>
        %sub3A_330 = arith.constant 1.000000e+00 : f32
        %sub3A_331 = vector.broadcast %sub3A_330 : f32 to vector<16xf32>
        %sub3A_332 = arith.subf %sub3A_331, %get3A_323 : vector<16xf32>
        %mul3A_333 = arith.mulf %get3A_319, %get3A_321 : vector<16xf32>
        %mul3A_334 = arith.mulf %get3A_319, %sub3A_329 : vector<16xf32>
        %mul3A_335 = arith.mulf %sub3A_326, %get3A_321 : vector<16xf32>
        %mul3A_336 = arith.mulf %sub3A_326, %sub3A_329 : vector<16xf32>
        %mul3A_337 = arith.mulf %mul3A_333, %get3A_323 : vector<16xf32>
        %get3A_338 = arith.index_cast %mul3A_318 : i32 to index
        %get3A_339 = tpu.vector_load %arg35[%get3A_338] {strides = array<i32>} : memref<1024xf32, #tpu.memory_space<vmem>>, vector<16xf32>,
        %mul3A_340 = arith.mulf %mul3A_337, %get3A_339 : vector<16xf32>
        %mul3A_341 = arith.mulf %mul3A_333, %sub3A_332 : vector<16xf32>
        %get3A_342 = arith.index_cast %mul3A_318 : i32 to index
        %get3A_343 = tpu.vector_load %arg36[%get3A_342] {strides = array<i32>} : memref<1024xf32, #tpu.memory_space<vmem>>, vector<16xf32>,
        %mul3A_344 = arith.mulf %mul3A_341, %get3A_343 : vector<16xf32>
        %add3A_345 = arith.addf %mul3A_340, %mul3A_344 : vector<16xf32>
        %mul3A_346 = arith.mulf %mul3A_334, %get3A_323 : vector<16xf32>
        %get3A_347 = arith.index_cast %mul3A_318 : i32 to index
        %get3A_348 = tpu.vector_load %arg37[%get3A_347] {strides = array<i32>} : memref<1024xf32, #tpu.memory_space<vmem>>, vector<16xf32>,
        %mul3A_349 = arith.mulf %mul3A_346, %get3A_348 : vector<16xf32>
        %add3A_350 = arith.addf %add3A_345, %mul3A_349 : vector<16xf32>
        %mul3A_351 = arith.mulf %mul3A_334, %sub3A_332 : vector<16xf32>
        %get3A_352 = arith.index_cast %mul3A_318 : i32 to index
        %get3A_353 = tpu.vector_load %arg38[%get3A_352] {strides = array<i32>} : memref<1024xf32, #tpu.memory_space<vmem>>, vector<16xf32>,
        %mul3A_354 = arith.mulf %mul3A_351, %get3A_353 : vector<16xf32>
        %add3A_355 = arith.addf %add3A_350, %mul3A_354 : vector<16xf32>
        %mul3A_356 = arith.mulf %mul3A_335, %get3A_323 : vector<16xf32>
        %get3A_357 = arith.index_cast %mul3A_318 : i32 to index
        %get3A_358 = tpu.vector_load %arg39[%get3A_357] {strides = array<i32>} : memref<1024xf32, #tpu.memory_space<vmem>>, vector<16xf32>,
        %mul3A_359 = arith.mulf %mul3A_356, %get3A_358 : vector<16xf32>
        %add3A_360 = arith.addf %add3A_355, %mul3A_359 : vector<16xf32>
        %mul3A_361 = arith.mulf %mul3A_335, %sub3A_332 : vector<16xf32>
        %get3A_362 = arith.index_cast %mul3A_318 : i32 to index
        %get3A_363 = tpu.vector_load %arg40[%get3A_362] {strides = array<i32>} : memref<1024xf32, #tpu.memory_space<vmem>>, vector<16xf32>,
        %mul3A_364 = arith.mulf %mul3A_361, %get3A_363 : vector<16xf32>
        %add3A_365 = arith.addf %add3A_360, %mul3A_364 : vector<16xf32>
        %mul3A_366 = arith.mulf %mul3A_336, %get3A_323 : vector<16xf32>
        %get3A_367 = arith.index_cast %mul3A_318 : i32 to index
        %get3A_368 = tpu.vector_load %arg41[%get3A_367] {strides = array<i32>} : memref<1024xf32, #tpu.memory_space<vmem>>, vector<16xf32>,
        %mul3A_369 = arith.mulf %mul3A_366, %get3A_368 : vector<16xf32>
        %add3A_370 = arith.addf %add3A_365, %mul3A_369 : vector<16xf32>
        %mul3A_371 = arith.mulf %mul3A_336, %sub3A_332 : vector<16xf32>
        %get3A_372 = arith.index_cast %mul3A_318 : i32 to index
        %get3A_373 = tpu.vector_load %arg42[%get3A_372] {strides = array<i32>} : memref<1024xf32, #tpu.memory_space<vmem>>, vector<16xf32>,
        %mul3A_374 = arith.mulf %mul3A_371, %get3A_373 : vector<16xf32>
        %add3A_375 = arith.addf %add3A_370, %mul3A_374 : vector<16xf32>
        %swap3A = arith.index_cast %mul3A_318 : i32 to index
        %swap3A_376 = tpu.vector_load %arg50[%swap3A] {strides = array<i32>} : memref<1024xf32, #tpu.memory_space<vmem>>, vector<16xf32>,
        tpu.vector_store %arg50[%swap3A], %add3A_375 {strides = array<i32>} : memref<1024xf32, #tpu.memory_space<vmem>>, vector<16xf32>,
      }
      %scan3A_310 = arith.constant 64 : i32
      %mul3A_311 = arith.constant 1024 : i32
      %mul3A_312 = arith.muli %add3A_283, %mul3A_311 : i32
      %add3A_313 = arith.addi %mul3A_2, %mul3A_312 : i32
      %dma_start3A_314 = tpu.memref_slice %arg4[%add3A_313] : memref<4194304xf32, #tpu.memory_space<hbm>> -> memref<1024xf32, #tpu.memory_space<hbm>>
      %dma_start3A_315 = tpu.memref_slice %arg4[%add3A_313] : memref<4194304xf32, #tpu.memory_space<hbm>> -> memref<1024xf32, #tpu.memory_space<hbm>>
      tpu.enqueue_dma source(%arg50 : memref<1024xf32, #tpu.memory_space<vmem>>) target(%dma_start3A_315 : memref<1024xf32, #tpu.memory_space<hbm>>) target_semaphore(%arg56 : memref<!tpu.dma_semaphore, #tpu.memory_space<semaphore_mem>>)
    }
    %scan3A_165 = arith.constant 64 : i32
    %add3A_166 = arith.constant 129024 : i32
    %add3A_167 = arith.addi %mul3A_2, %add3A_166 : i32
    %dma_wait3A_168 = tpu.memref_slice %arg4[%add3A_167] : memref<4194304xf32, #tpu.memory_space<hbm>> -> memref<1024xf32, #tpu.memory_space<hbm>>
    %dma_wait3A_169 = tpu.memref_slice %arg4[%add3A_167] : memref<4194304xf32, #tpu.memory_space<hbm>> -> memref<1024xf32, #tpu.memory_space<hbm>>
    tpu.wait_dma2 semaphore(%arg55 : memref<!tpu.dma_semaphore, #tpu.memory_space<semaphore_mem>>) src(%arg49 : memref<1024xf32, #tpu.memory_space<vmem>>) dst(%dma_wait3A_169 : memref<1024xf32, #tpu.memory_space<hbm>>)
    %add3A_170 = arith.constant 130048 : i32
    %add3A_171 = arith.addi %mul3A_2, %add3A_170 : i32
    %dma_wait3A_172 = tpu.memref_slice %arg4[%add3A_171] : memref<4194304xf32, #tpu.memory_space<hbm>> -> memref<1024xf32, #tpu.memory_space<hbm>>
    %dma_wait3A_173 = tpu.memref_slice %arg4[%add3A_171] : memref<4194304xf32, #tpu.memory_space<hbm>> -> memref<1024xf32, #tpu.memory_space<hbm>>
    tpu.wait_dma2 semaphore(%arg56 : memref<!tpu.dma_semaphore, #tpu.memory_space<semaphore_mem>>) src(%arg50 : memref<1024xf32, #tpu.memory_space<vmem>>) dst(%dma_wait3A_173 : memref<1024xf32, #tpu.memory_space<hbm>>)
    return
  }
}

</mosaic_0001>

<sc_bundles>
// kernel: kernel.3.cloned.1.call-start
scs
__scs_entry_jumppad:
0x0: {  	(pc) =	sbr.rel $0x88, $3  }
0x1: {  	(tag) =	ssettag $0x0;
	lr =	simm.s32 $0x1  }
0x2: {  	[smem:$0x3F9F] =	sst lr;
	_ =	strace $0xD0000000  }
0x3: {  	_ = 	snop  }
0x4: {  	_ = 	snop  }
0x5: {  	_ = 	snop  }
0x6: {  	_ = 	snop  }
0x7: {  	_ = 	snop  }
__scs_overlays_trampoline_lowered:
0x8: {  	[smem:$0x3FAE] =	sst s0  }
0x9: {  	[smem:$0x3FAF] =	sst s1  }
0xa: {  	[smem:$0x3FB0] =	sst s2  }
0xb: {  	[smem:$0x3FB1] =	sst s3  }
0xc: {  	[smem:$0x3FB2] =	sst s4  }
0xd: {  	[smem:$0x3FB3] =	sst s5  }
0xe: {  	[smem:$0x3FB4] =	sst s6  }
0xf: {  	[smem:$0x3FB5] =	sst s7  }
0x10: {  	[smem:$0x3FB6] =	sst s8  }
0x11: {  	[smem:$0x3FB7] =	sst s9;
	s0 =	simm.s32 @!p0 $0x0  }
0x12: {  	s1 =	sld [smem:$0x3F9D];
	s0 =	simm.s32 @p0 $0x1  }
0x13: {  	[smem:$0x3FB8] =	sst s0;
	s0 =	simm.s32 @!p1 $0x0  }
0x14: {  	s2 =	sld [smem:$0x3F9C];
	s0 =	simm.s32 @p1 $0x1  }
0x15: {  	[smem:$0x3FB9] =	sst s0;
	s0 =	simm.s32 @!p2 $0x0  }
0x16: {  	s3 =	sld [smem:$0x3FDB];
	s0 =	simm.s32 @p2 $0x1  }
0x17: {  	s4 =	simm.s32 $0x1BF5;
	[smem:$0x3FBB] =	sst s0  }
0x18: {  	s0 =	sld [smem:$0x3F9E];
	_ =	swait.ge [sflag:s4], $0x0  }
0x19: {  	s7 =	sld [smem:$0x3F9F]  }
0x1a: {  	s8 =	sadd.s32 $0xFFFFE003, lr  }
0x1b: {  	s9 =	sadd.s32 $0xFFFFFEF7, lr;
	s5 =	simm.s32 $0xFFFFFFFF;
	p2 =	slt.u32 s8, $0xFFFFF086  }
0x1c: {  	p1 =	slt.u32 s9, $0xF7A;
	s5 =	simm.s32 @!p2 $0x0  }
0x1d: {  	s5 =	simm.s32 @p1 $0x1;
	p0 =	seq.s32 s7, s2  }
0x1e: {  	s7 =	smul.u32 @!p0 $0xF7A, s2;
	p2 =	seq.s32 @!p0 s5, $0x0  }
0x1f: {  	s9 =	smul.u32 $0xF7A, s1;
	s8 =	simm.s32 @!p0 $0x1BF5;
	p2 =	por !p2, p0  }
0x20: {  	[sflag:s8] =	ssyncset.s32 @!p0 $0xFFFFF086;
	s6 =	sadd.s32 @!p0 s3, s7;
	s7 =	simm.s32 @!p0 $0x108  }
0x21: {  	s3 =	sadd.s32 s3, s9;
	s6 =	sadd.s32 @!p0 $0x88, s6;
	s7 =	simm.s32 @p2 $0x1082  }
0x22: {  	[simem:s7], [sflag:s8] =	dma.local @!p0 [hbm:s6], $0xF7A  }
0x23: {  	s9 =	sor.u32 $0xD0000000, s2;
	s6 =	simm.s32 $0x108;
	_ =	swait.ge @!p0 [sflag:s8], $0x0  }
0x24: {  	s3 =	sadd.s32 $0x88, s3;
	s6 =	simm.s32 @!p1 $0x1082;
	[sflag:s4] =	ssyncset.s32 $0xFFFFF086  }
0x25: {  	[simem:s6], [sflag:s4] =	dma.local [hbm:s3], $0xF7A  }
0x26: {  	[smem:$0x3F9F] =	sst s1;
	(tag) =	ssettag s2;
	_ =	strace s9  }
0x27: {  	s1 =	sld [smem:$0x3FAF]  }
0x28: {  	s2 =	sld [smem:$0x3FB0]  }
0x29: {  	s4 =	sld [smem:$0x3FB2]  }
0x2a: {  	p0 =	seq.s32 s5, $0x0;
	s5 =	sld [smem:$0x3FB3]  }
0x2b: {  	s6 =	sld [smem:$0x3FB4]  }
0x2c: {  	s7 =	sld [smem:$0x3FB5]  }
0x2d: {  	s3 =	simm.s32 $0x108;
	s8 =	sld [smem:$0x3FB6]  }
0x2e: {  	s3 =	simm.s32 @!p0 $0x1082;
	s9 =	sld [smem:$0x3FB7]  }
0x2f: {  	lr =	sadd.s32 s0, s3;
	s0 =	sld [smem:$0x3FAE]  }
0x30: {  	s3 =	sld [smem:$0x3FB1]  }
0x31: {  	[smem:$0x3FBA] =	sst s10  }
0x32: {  	s10 =	sld [smem:$0x3FB8];
	_ =	sdelay $0x3  }
0x33: {  	p0 =	seq.s32 s10, $0x1;
	s10 =	sld [smem:$0x3FBA];
	_ =	sdelay $0x3  }
0x34: {  	[smem:$0x3FBA] =	sst s10  }
0x35: {  	s10 =	sld [smem:$0x3FB9];
	_ =	sdelay $0x3  }
0x36: {  	p1 =	seq.s32 s10, $0x1;
	s10 =	sld [smem:$0x3FBA];
	_ =	sdelay $0x3  }
0x37: {  	[smem:$0x3FBA] =	sst s10  }
0x38: {  	s10 =	sld [smem:$0x3FBB]  }
0x39: {  	_ = 	snop;
	(pc) =	sbr.ind lr, $3  }
0x3a: {  	_ = 	snop  }
0x3b: {  	_ = 	snop  }
0x3c: {  	p2 =	seq.s32 s10, $0x1;
	s10 =	sld [smem:$0x3FBA]  }
0x3d: {  	_ =	shalt  }
0x3e: {  	_ =	shalt  }
0x3f: {  	_ =	shalt  }
0x40: {  	_ =	shalt  }
0x41: {  	_ =	shalt  }
0x42: {  	_ =	shalt  }
0x43: {  	_ =	shalt  }
0x44: {  	_ =	shalt  }
0x45: {  	_ =	shalt  }
0x46: {  	_ =	shalt  }
0x47: {  	_ =	shalt  }
0x48: {  	_ =	shalt  }
0x49: {  	_ =	shalt  }
0x4a: {  	_ =	shalt  }
0x4b: {  	_ =	shalt  }
0x4c: {  	_ =	shalt  }
0x4d: {  	_ =	shalt  }
0x4e: {  	_ =	shalt  }
0x4f: {  	_ =	shalt  }
0x50: {  	_ =	shalt  }
0x51: {  	_ =	shalt  }
0x52: {  	_ =	shalt  }
0x53: {  	_ =	shalt  }
0x54: {  	_ =	shalt  }
0x55: {  	_ =	shalt  }
0x56: {  	_ =	shalt  }
0x57: {  	_ =	shalt  }
0x58: {  	_ =	shalt  }
0x59: {  	_ =	shalt  }
0x5a: {  	_ =	shalt  }
0x5b: {  	_ =	shalt  }
0x5c: {  	_ =	shalt  }
0x5d: {  	_ =	shalt  }
0x5e: {  	_ =	shalt  }
0x5f: {  	_ =	shalt  }
0x60: {  	_ =	shalt  }
0x61: {  	_ =	shalt  }
0x62: {  	_ =	shalt  }
0x63: {  	_ =	shalt  }
0x64: {  	_ =	shalt  }
0x65: {  	_ =	shalt  }
0x66: {  	_ =	shalt  }
0x67: {  	_ =	shalt  }
0x68: {  	_ =	shalt  }
0x69: {  	_ =	shalt  }
0x6a: {  	_ =	shalt  }
0x6b: {  	_ =	shalt  }
0x6c: {  	_ =	shalt  }
0x6d: {  	_ =	shalt  }
0x6e: {  	_ =	shalt  }
0x6f: {  	_ =	shalt  }
0x70: {  	_ =	shalt  }
0x71: {  	_ =	shalt  }
0x72: {  	_ =	shalt  }
0x73: {  	_ =	shalt  }
0x74: {  	_ =	shalt  }
0x75: {  	_ =	shalt  }
0x76: {  	_ =	shalt  }
0x77: {  	_ =	shalt  }
0x78: {  	_ =	shalt  }
0x79: {  	_ =	shalt  }
0x7a: {  	_ =	shalt  }
0x7b: {  	_ =	shalt  }
0x7c: {  	_ =	shalt  }
0x7d: {  	_ =	shalt  }
0x7e: {  	_ =	shalt  }
0x7f: {  	_ =	shalt  }
0x80: {  	_ =	shalt  }
0x81: {  	_ =	shalt  }
0x82: {  	_ =	shalt  }
0x83: {  	_ =	shalt  }
0x84: {  	_ =	shalt  }
0x85: {  	_ =	shalt  }
0x86: {  	_ =	shalt  }
0x87: {  	_ =	shalt  }
.Lfunc_end0:
.L_simem_size_0:
called_computation_lowered:
.L_overlay_start_0:
0x88: {  	s2 =	sld [smem:$0x3FD9]  }
0x89: {  	s3 =	sld [smem:$0x3FFE];
	_ =	sdelay $0x1  }
0x8a: {  	s1 =	srdreg.scid  }
0x8b: {  	s0 =	sand.u32 $0x1, s1  }
0x8c: {  	s18 =	sshll.u32 s0, $0xA;
	s2 =	sadd.s32 s3, s2  }
0x8d: {  	s2 =	sadd.s32 s2, s18  }
0x8e: {  	[smem:$0x3FC6] =	sst s2  }
0x8f: {  	_ = 	snop  }
0x90: {  	s2 =	sld [smem:$0x3FC9]  }
0x91: {  	s19 =	sld [smem:$0x3FC8]  }
0x92: {  	s4 =	sld [smem:$0x3FD0];
	(tm) =	ssettm $0x1  }
0x93: {  	s5 =	sld [smem:$0x3FFB];
	_ =	sdelay $0x3  }
0x94: {  	_ =	strace s5  }
0x95: {  	s5 =	sld [smem:$0x3FFC];
	_ =	sdelay $0x3  }
0x96: {  	_ =	strace s5  }
0x97: {  	s5 =	sld [smem:$0x3FFD];
	_ =	sdelay $0x3  }
0x98: {  	_ =	strace s5  }
0x99: {  	_ =	strace $0x8FFFFFFF  }
0x9a: {  	s20 =	sld [smem:$0x3FDB];
	_ =	sdelay $0x1  }
0x9b: {  	s6 =	simm.s32 $_scs_section_size  }
0x9c: {  	s7 =	simm.s32 $_size__tile_overlayer_lowered;
	s8 =	simm.s32 $_tile_overlayer_lowered  }
0x9d: {  	s23 =	simm.s32 $0x1BFF;
	s22 =	sshll.u32 s8, $0x1;
	s5 =	sadd.s32 s6, s20  }
0x9e: {  	s9 =	simm.s32 $0x0;
	s21 =	sshll.u32 s7, $0x1;
	s7 =	sadd.s32 s22, s5  }
0x9f: {  	[timem:s9], [sflag:s23] =	dma.local [hbm:s7], s21  }
0xa0: {  	_ =	swait.ge [sflag:s23], s21  }
0xa1: {  	s6 =	ssub.s32 $0x0, s21;
	[sflag:s23] =	ssyncset.done $0x0  }
0xa2: {  	[sflag:s23] =	ssyncadd.s32 s6;
	_ =	sdelay $0x1  }
0xa3: {  	s24 =	simm.s32 $0x1B8B  }
0xa4: {  	_ =	swait.ge [sflag:s24], $0x1  }
0xa5: {  	[sflag:s24] =	ssyncset.done $0x0  }
0xa6: {  	s25 =	simm.s32 $0x1B8E;
	[sflag:s24] =	ssyncadd.s32 $0xFFFFFFFF  }
0xa7: {  	s26 =	simm.s32 $execute0_lowered;
	[smem:$0x3FD2] =	sst s25  }
0xa8: {  	s6 =	sshll.u32 s26, $0x1;
	_ =	strace $0x80000046;
	[dreg:$0x1] =	wrdreg $0xFFFFFFFF  }
0xa9: {  	s28 =	simm.s32 $_size_execute0_lowered;
	s5 =	sadd.s32 s5, s6;
	[dreg:$0x0] =	wrdreg $0x0  }
0xaa: {  	s6 =	sshll.u32 s28, $0x1;
	[dreg:$0x2] =	wrdreg s5  }
0xab: {  	[dreg:$0x3] =	wrdreg s6  }
0xac: {  	[dreg:$0x4] =	wrdreg $0xC0  }
0xad: {  	_ =	task [dreg:s9], $0x5FFFF  }
0xae: {  	[dreg:$0x1] =	wrdreg $0xFFFFFFFF  }
0xaf: {  	[dreg:$0x0] =	wrdreg $0x60  }
0xb0: {  	[dreg:$0x2] =	wrdreg s2  }
0xb1: {  	[dreg:$0x3] =	wrdreg s19  }
0xb2: {  	[dreg:$0x4] =	wrdreg s4  }
0xb3: {  	[dreg:$0x5] =	wrdreg $0x9  }
0xb4: {  	_ =	task.clear_ibuf [dreg:s9], $0x6FFFF;
	_ =	strace $0x90000046  }
0xb5: {  	s29 =	simm.s32 $0x9;
	_ =	strace $0x80000048  }
0xb6: {  	_ =	swait.ge [sflag:s29], $0x1  }
0xb7: {  	[sflag:s29] =	ssyncadd.s32 $0xFFFFFFFF  }
0xb8: {  	_ =	strace $0x90000048  }
0xb9: {  	_ =	sfence  }
0xba: {  	s30 =	sld [smem:$0x0];
	_ =	sdelay $0x2  }
0xbb: {  	s31 =	sshll.u32 s1, $0xD;
	s1 =	sshrl.u32 s1, $0x2  }
0xbc: {  	s3 =	sand.u32 $0x4000, s31;
	s1 =	sadd.s32 s1, s30  }
0xbd: {  	s0 =	sor.u32 s3, s0;
	s1 =	sshll.u32 s1, $0x11  }
0xbe: {  	s0 =	sor.u32 s1, s0  }
0xbf: {  	s0 =	sadd.s32 $0x8F2B, s0  }
0xc0: {  	[sflag:s0] =	ssyncadd.remote.s32 $0x1  }
0xc1: {  	_ =	sfence.sel $0xFFFF  }
0xc2: {  	[dreg:$0x0] =	wrdreg $0xFFFFFFFF;
	(pc) =	sbr.abs _section_cstart, $3  }
0xc3: {  	[dreg:$0x1] =	wrdreg $0xFFFFFFFF  }
0xc4: {  	_ =	task.clear_ibuf [dreg:s9], $0x2FFFF;
	_ =	strace $0x9FFFFFFF  }
0xc5: {  	(tm) =	ssettm $0x7FFFFFFF  }
tec
execute0_lowered:
.L_overlay_start_1:
0x0: {  	(tag) =	ssettag $0x1  }
0x1: {  	s1 =	rddreg [dreg:$0x0]  }
0x2: {  	s0 =	srdreg.scid;
	s3 =	rddreg [dreg:$0x1]  }
0x3: {  	s2 =	stileid.u32;
	s5 =	rddreg [dreg:$0x2];
	s6 =	simm.s32 $0x0  }
0x4: {  	s14 =	simm.s32 $0x800;
	s13 =	simm.s32 $0x4;
	s0 =	sand.u32 $0x1, s0  }
0x5: {  	s2 =	sshll.u32 s2, $0x12;
	s4 =	sshll.u32 s0, $0x11;
	s0 =	ssub.s32 $0x2, s0  }
0x6: {  	[smem:$0x7FF] =	sst s6;
	s4 =	sor.u32 s4, s2;
	s8 =	sshrl.u32 s0, $0x1  }
0x7: {  	_ =	strace $0x80000047;
	s0 =	ssub.s32 s0, s8;
	s25 =	sand.u32 $0x1E0000, s4  }
0x8: {  	s7 =	sshrl.u32 s4, $0xE;
	s0 =	smax.u32 s0, $0x1;
	[dreg:$0xe] =	wrdreg s25  }
0x9: {  	s7 =	smul.u32 $0x1800, s7;
	s26 =	sor.u32 $0x400, s25;
	[dreg:$0xd] =	wrdreg s0  }
0xa: {  	s28 =	simm.s32 $0x4800;
	[dreg:$0xf] =	wrdreg s26;
	s0 =	sor.u32 $0x800, s25  }
0xb: {  	s29 =	simm.s32 $0x8800;
	s9 =	sadd.s32 s3, s7;
	[dreg:$0x10] =	wrdreg s0  }
0xc: {  	s30 =	simm.s32 $0x4C00;
	s17 =	sadd.s32 $0x800, s9;
	[dreg:$0x4] =	wrdreg s9  }
0xd: {  	s31 =	simm.s32 $0x8C00;
	s18 =	sadd.s32 $0x1000, s9;
	[dreg:$0x5] =	wrdreg s17  }
0xe: {  	s11 =	simm.s32 $0x0;
	s19 =	sadd.s32 $0x80, s9;
	[dreg:$0x6] =	wrdreg s18  }
0xf: {  	s16 =	sand.u32 $0x200000, s2;
	s20 =	sadd.s32 $0x880, s9;
	[dreg:$0x7] =	wrdreg s19  }
0x10: {  	s2 =	simm.s32 $0x5000;
	s21 =	sadd.s32 $0x1080, s9;
	[dreg:$0x8] =	wrdreg s20  }
0x11: {  	s8 =	simm.s32 $0x2;
	s22 =	sadd.s32 $0x100, s9;
	[dreg:$0x9] =	wrdreg s21  }
0x12: {  	s25 =	simm.s32 $0x3;
	s23 =	sadd.s32 $0x900, s9;
	[dreg:$0xa] =	wrdreg s22  }
0x13: {  	s26 =	simm.s32 $0x8400;
	s24 =	sadd.s32 $0x1100, s9;
	[dreg:$0xb] =	wrdreg s23  }
0x14: {  	s0 =	simm.s32 $0x9000;
	s9 =	simm.s32 $0xB400;
	[dreg:$0xc] =	wrdreg s24  }
0x15: {  	s20 =	simm.s32 $0x400;
	s17 =	simm.s32 $0x4400;
	s22 =	simm.s32 $0x5400  }
0x16: {  	v1 =	vlaneseq.u32;
	v0 =	vmov s16;
	s23 =	simm.s32 $0x9400;
	s24 =	simm.s32 $0x1;
	s21 =	simm.s32 $0xB000  }
.LBB2_1:
0x17: {  	[dreg:$0x11] =	wrdreg s11  }
0x18: {  	s7 =	rddreg [dreg:$0x4]  }
0x19: {  	[tilespmem:s6], [sflag:$0x3] =	stream.linear.gather [hbm4b:s7+s6], $0x400, $0x38;
	[tilespmem:$0xB800] =	vst v63  }
0x1a: {  	s10 =	rddreg [dreg:$0x5]  }
0x1b: {  	[tilespmem:s20], [sflag:$0x3] =	stream.linear.gather [hbm4b:s10+s6], $0x400, $0x38;
	[tilespmem:$0xB800] =	vst v63  }
0x1c: {  	s11 =	rddreg [dreg:$0x6]  }
0x1d: {  	[tilespmem:s14], [sflag:$0x3] =	stream.linear.gather [hbm4b:s11+s6], $0x400, $0x38;
	[tilespmem:$0xB800] =	vst v63  }
0x1e: {  	s12 =	rddreg [dreg:$0x7];
	s10 =	simm.s32 $0xC00  }
0x1f: {  	[tilespmem:s10], [sflag:$0x4] =	stream.linear.gather [hbm4b:s12+s6], $0x400, $0x38;
	[tilespmem:$0xB800] =	vst v63  }
0x20: {  	s15 =	rddreg [dreg:$0x8];
	s16 =	simm.s32 $0x1000  }
0x21: {  	[tilespmem:s16], [sflag:$0x4] =	stream.linear.gather [hbm4b:s15+s6], $0x400, $0x38;
	[tilespmem:$0xB800] =	vst v63  }
0x22: {  	s18 =	rddreg [dreg:$0x9];
	s19 =	simm.s32 $0x1400  }
0x23: {  	[tilespmem:s19], [sflag:$0x4] =	stream.linear.gather [hbm4b:s18+s6], $0x400, $0x38;
	[tilespmem:$0xB800] =	vst v63  }
0x24: {  	_ =	swait.ge [sflag:s25], $0x400  }
0x25: {  	[sflag:s25] =	ssyncset.done $0x0  }
0x26: {  	[sflag:s25] =	ssyncadd.s32 $0xFFFFFC00  }
0x27: {  	_ =	swait.ge [sflag:s25], $0x400  }
0x28: {  	[sflag:s25] =	ssyncset.done $0x0  }
0x29: {  	[sflag:s25] =	ssyncadd.s32 $0xFFFFFC00  }
0x2a: {  	_ =	swait.ge [sflag:s25], $0x400  }
0x2b: {  	[sflag:s25] =	ssyncset.done $0x0  }
0x2c: {  	s10 =	simm.s32 $0x0;
	[sflag:s25] =	ssyncadd.s32 $0xFFFFFC00  }
0x2d: {  	s12 =	rddreg [dreg:$0xe];
	v2 =	vld [tilespmem:s10+$0x0]  }
0x2e: {  	v3 =	vmov s12;
	v4 =	vld [tilespmem:s10+$0x400]  }
0x2f: {  	v5 =	vshrl.u32 v3, $0x7;
	v3 =	vshrl.u32 v3, $0xE  }
0x30: {  	v6 =	vld [tilespmem:s10+$0x800];
	v5 =	vand.u32 $0x7, v5;
	v3 =	vcvt.s32.f32 v3  }
0x31: {  	v7 =	vor.u32 s12, v1;
	v5 =	vcvt.s32.f32 v5  }
0x32: {  	v7 =	vand.u32 $0x7F, v7;
	v2 =	vadd.f32 v3, v2  }
0x33: {  	v3 =	vadd.f32 v5, v4;
	v4 =	vcvt.s32.f32 v7  }
0x34: {  	v2 =	vmax.f32 v2, $0.0e+00  }
0x35: {  	v7 =	vmin.f32 v2, $1.270000000e+02;
	v2 =	vmax.f32 v3, $0.0e+00;
	v3 =	vadd.f32 v4, v6  }
0x36: {  	v5 =	vtrunc.f32 v7;
	v4 =	vmin.f32 v2, $1.270000000e+02  }
0x37: {  	v9 =	vcvt.f32.s32 v5;
	v2 =	vtrunc.f32 v4;
	v3 =	vmax.f32 v3, $0.0e+00  }
0x38: {  	v13 =	vcvt.f32.s32 v2;
	v10 =	vadd.f32 $1.000000000e+00, v2;
	v5 =	vmin.f32 v3, $1.270000000e+02  }
0x39: {  	v3 =	vcvt.s32.f32 v9;
	v6 =	vadd.s32 $0x1, v9;
	v11 =	vtrunc.f32 v5  }
0x3a: {  	vm0 =	vlt.s32 v6, $0x7F;
	v8 =	vadd.s32 $0x1, v13;
	v2 =	vcvt.f32.s32 v11  }
0x3b: {  	v16 =	vadd.f32 $1.000000000e+00, v11;
	v11 =	vmin.f32 v10, $1.270000000e+02;
	v13 =	vshll.u32 v13, $0x7  }
0x3c: {  	v12 =	vadd.f32 $1.000000000e+00, v3;
	v3 =	vnsel vm0, $0x7F, v6;
	vm14 =	vlt.s32 v8, $0x7F  }
0x3d: {  	v6 =	vnsel vm14, $0x7F, v8;
	v14 =	vadd.s32 $0x1, v2;
	v3 =	vshll.u32 v3, $0xE  }
0x3e: {  	vm15 =	vlt.s32 v14, $0x7F;
	v8 =	vadd.s32 v0, v3;
	v15 =	vshll.u32 v6, $0x7  }
0x3f: {  	v3 =	vnsel vm15, $0x7F, v14;
	v6 =	vadd.s32 v15, v8;
	v14 =	vshll.u32 v9, $0xE  }
0x40: {  	v12 =	vmin.f32 v12, $1.270000000e+02;
	v17 =	vadd.s32 v3, v6;
	v10 =	vadd.s32 v0, v14  }
0x41: {  	s7 =	simm.s32 $0x80;
	s11 =	simm.s32 $0x10;
	v9 =	vmin.f32 v16, $1.270000000e+02;
	v12 =	vsub.f32 v12, v7;
	[tilespmem:s10+$0x3400] =	vst v17;
	v7 =	vadd.s32 v10, v15  }
.LBB2_2:
0x42: {  	p0 =	sne.s32 s7, $0xFC0;
	v14 =	vld [tilespmem:s11+$0x0];
	v11 =	vsub.f32 v11, v4;
	v4 =	vadd.s32 v13, v10;
	v8 =	vadd.s32 v13, v8;
	s12 =	sadd.s32 $0x10, s12  }
0x43: {  	v5 =	vsub.f32 v9, v5;
	v10 =	vmov s12;
	v13 =	vld [tilespmem:s11+$0x400];
	[tilespmem:s10+$0x9800] =	vst v12;
	v9 =	vadd.s32 v2, v8  }
0x44: {  	v8 =	vadd.s32 v3, v8;
	v12 =	vshrl.u32 v10, $0x7;
	v10 =	vshrl.u32 v10, $0xE;
	[tilespmem:s10+$0x2800] =	vst v9  }
0x45: {  	v6 =	vadd.s32 v2, v6;
	v9 =	vand.u32 $0x7, v12;
	v10 =	vcvt.s32.f32 v10;
	v12 =	vld [tilespmem:s11+$0x800];
	[tilespmem:s10+$0x2C00] =	vst v8  }
0x46: {  	v15 =	vadd.s32 v2, v7;
	v8 =	vor.u32 s12, v1;
	v9 =	vcvt.s32.f32 v9;
	[tilespmem:s10+$0x3000] =	vst v6  }
0x47: {  	v7 =	vadd.s32 v3, v7;
	v6 =	vand.u32 $0x7F, v8;
	v8 =	vadd.f32 v10, v14;
	[tilespmem:s10+$0x2000] =	vst v15  }
0x48: {  	v2 =	vadd.s32 v2, v4;
	v6 =	vcvt.s32.f32 v6;
	v9 =	vadd.f32 v9, v13;
	[tilespmem:s10+$0x2400] =	vst v7  }
0x49: {  	v7 =	vmax.f32 v8, $0.0e+00;
	[tilespmem:s10+$0x1800] =	vst v2;
	v2 =	vadd.s32 v4, v3  }
0x4a: {  	v7 =	vmin.f32 v7, $1.270000000e+02;
	v3 =	vmax.f32 v9, $0.0e+00;
	v6 =	vadd.f32 v6, v12;
	[tilespmem:s10+$0x1C00] =	vst v2  }
0x4b: {  	v2 =	vtrunc.f32 v7;
	v4 =	vmin.f32 v3, $1.270000000e+02;
	[tilespmem:s10+$0x9C00] =	vst v11  }
0x4c: {  	v9 =	vcvt.f32.s32 v2;
	v2 =	vtrunc.f32 v4;
	v3 =	vmax.f32 v6, $0.0e+00;
	[tilespmem:s10+$0xA000] =	vst v5;
	s10 =	smov.u32 s11  }
0x4d: {  	v13 =	vcvt.f32.s32 v2;
	v10 =	vadd.f32 $1.000000000e+00, v2;
	v5 =	vmin.f32 v3, $1.270000000e+02  }
0x4e: {  	v3 =	vcvt.s32.f32 v9;
	v6 =	vadd.s32 $0x1, v9;
	v11 =	vtrunc.f32 v5  }
0x4f: {  	vm0 =	vlt.s32 v6, $0x7F;
	v8 =	vadd.s32 $0x1, v13;
	v2 =	vcvt.f32.s32 v11  }
0x50: {  	v12 =	vadd.f32 $1.000000000e+00, v3;
	v3 =	vnsel vm0, $0x7F, v6;
	vm0 =	vlt.s32 v8, $0x7F  }
0x51: {  	v6 =	vnsel vm0, $0x7F, v8;
	v14 =	vadd.s32 $0x1, v2;
	v3 =	vshll.u32 v3, $0xE  }
.Ltmp0:
0x52: {  	vm0 =	vlt.s32 v14, $0x7F;
	v8 =	vadd.s32 v0, v3;
	v15 =	vshll.u32 v6, $0x7;
	(pc) =	sbr.rel @p0 .LBB2_2-.Ltmp0, $4  }
0x53: {  	v16 =	vadd.f32 $1.000000000e+00, v11;
	v3 =	vnsel vm0, $0x7F, v14;
	v6 =	vadd.s32 v15, v8  }
0x54: {  	v12 =	vmin.f32 v12, $1.270000000e+02;
	v14 =	vshll.u32 v9, $0xE;
	v17 =	vadd.s32 v3, v6  }
0x55: {  	v11 =	vmin.f32 v10, $1.270000000e+02;
	v9 =	vmin.f32 v16, $1.270000000e+02;
	v10 =	vadd.s32 v0, v14;
	[tilespmem:s10+$0x3400] =	vst v17  }
0x56: {  	s11 =	sshra.s32 s7, $0x2;
	s7 =	sadd.s32 $0x40, s7;
	v13 =	vshll.u32 v13, $0x7;
	v12 =	vsub.f32 v12, v7;
	v7 =	vadd.s32 v10, v15  }
0x57: {  	v14 =	vld [tilespmem:s11+$0x0];
	v8 =	vadd.s32 v13, v8;
	s7 =	sadd.s32 $0x10, s12  }
0x58: {  	v15 =	vld [tilespmem:s11+$0x400];
	v16 =	vmov s7;
	[tilespmem:s10+$0x9800] =	vst v12;
	v41 =	vadd.s32 v2, v8  }
0x59: {  	v4 =	vsub.f32 v11, v4;
	v42 =	vshrl.u32 v16, $0x7;
	v16 =	vshrl.u32 v16, $0xE;
	[tilespmem:s10+$0x2800] =	vst v41  }
0x5a: {  	v10 =	vadd.s32 v13, v10;
	v11 =	vand.u32 $0x7, v42;
	v43 =	vcvt.s32.f32 v16;
	v44 =	vld [tilespmem:s11+$0x800]  }
0x5b: {  	v5 =	vsub.f32 v9, v5;
	v45 =	vor.u32 s7, v1;
	v11 =	vcvt.s32.f32 v11  }
0x5c: {  	v6 =	vadd.s32 v2, v6;
	v9 =	vand.u32 $0x7F, v45;
	v12 =	vadd.f32 v43, v14  }
0x5d: {  	v46 =	vadd.s32 v2, v7;
	v9 =	vcvt.s32.f32 v9;
	v11 =	vadd.f32 v11, v15  }
0x5e: {  	v47 =	vadd.s32 v3, v7;
	v8 =	vadd.s32 v3, v8;
	v12 =	vmax.f32 v12, $0.0e+00  }
0x5f: {  	v12 =	vmin.f32 v12, $1.270000000e+02;
	v11 =	vmax.f32 v11, $0.0e+00;
	v9 =	vadd.f32 v9, v44  }
0x60: {  	v2 =	vadd.s32 v2, v10;
	v48 =	vtrunc.f32 v12;
	v11 =	vmin.f32 v11, $1.270000000e+02  }
0x61: {  	v13 =	vcvt.f32.s32 v48;
	v49 =	vtrunc.f32 v11;
	v9 =	vmax.f32 v9, $0.0e+00  }
0x62: {  	v3 =	vadd.s32 v10, v3;
	[tilespmem:s10+$0x2C00] =	vst v8;
	v50 =	vcvt.f32.s32 v49;
	v9 =	vmin.f32 v9, $1.270000000e+02  }
0x63: {  	[tilespmem:s10+$0x3000] =	vst v6;
	v51 =	vcvt.s32.f32 v13;
	v52 =	vadd.s32 $0x1, v13;
	v53 =	vtrunc.f32 v9  }
0x64: {  	[tilespmem:s10+$0x2000] =	vst v46;
	vm0 =	vlt.s32 v52, $0x7F;
	v54 =	vadd.s32 $0x1, v50;
	v17 =	vcvt.f32.s32 v53  }
0x65: {  	[tilespmem:s10+$0x2400] =	vst v47;
	v6 =	vadd.f32 $1.000000000e+00, v51;
	v55 =	vnsel vm0, $0x7F, v52;
	vm14 =	vlt.s32 v54, $0x7F  }
0x66: {  	[tilespmem:s10+$0x1800] =	vst v2;
	v2 =	vnsel vm14, $0x7F, v54;
	v56 =	vadd.s32 $0x1, v17;
	v7 =	vshll.u32 v55, $0xE  }
0x67: {  	[tilespmem:s10+$0x1C00] =	vst v3;
	vm15 =	vlt.s32 v56, $0x7F;
	v3 =	vadd.s32 v0, v7;
	v2 =	vshll.u32 v2, $0x7  }
0x68: {  	[tilespmem:s10+$0x9C00] =	vst v4;
	v6 =	vmin.f32 v6, $1.270000000e+02;
	v57 =	vnsel vm15, $0x7F, v56;
	v7 =	vadd.s32 v2, v3  }
0x69: {  	[tilespmem:s10+$0xA000] =	vst v5;
	v8 =	vshll.u32 v50, $0x7;
	v6 =	vsub.f32 v6, v12;
	v58 =	vadd.s32 v57, v7  }
0x6a: {  	v59 =	vshll.u32 v13, $0xE;
	v3 =	vadd.s32 v8, v3;
	[tilespmem:s11+$0x3400] =	vst v58  }
0x6b: {  	v5 =	vadd.s32 v0, v59;
	v60 =	vadd.s32 v17, v3;
	[tilespmem:s11+$0x9800] =	vst v6  }
0x6c: {  	v2 =	vadd.s32 v5, v2;
	v3 =	vadd.s32 v57, v3;
	[tilespmem:s11+$0x2800] =	vst v60  }
0x6d: {  	v62 =	vadd.s32 v17, v2;
	[tilespmem:s11+$0x2C00] =	vst v3  }
0x6e: {  	v61 =	vadd.f32 $1.000000000e+00, v49;
	v3 =	vadd.s32 v17, v7;
	[tilespmem:s11+$0x2000] =	vst v62  }
0x6f: {  	v5 =	vadd.s32 v8, v5;
	v2 =	vadd.s32 v57, v2;
	[tilespmem:s11+$0x3000] =	vst v3;
	v3 =	vadd.f32 $1.000000000e+00, v53  }
0x70: {  	v63 =	vadd.s32 v17, v5;
	v6 =	vmin.f32 v61, $1.270000000e+02;
	[tilespmem:s11+$0x2400] =	vst v2  }
0x71: {  	v4 =	vadd.s32 v5, v57;
	[tilespmem:s11+$0x1800] =	vst v63;
	v2 =	vmin.f32 v3, $1.270000000e+02;
	v3 =	vsub.f32 v6, v11  }
0x72: {  	[tilespmem:s11+$0x1C00] =	vst v4;
	v2 =	vsub.f32 v2, v9  }
0x73: {  	[tilespmem:s11+$0x9C00] =	vst v3  }
0x74: {  	s12 =	simm.s32 $0x5800;
	[tilespmem:s11+$0xA000] =	vst v2;
	s11 =	simm.s32 $0x1800  }
0x75: {  	[tilespmem:s12], [sflag:$0x1] =	stream.indirect.gather [hbm4b:s1+s20], $0x1, s11, s20, $0xb8;
	[tilespmem:$0xB800] =	vst v63  }
0x76: {  	s15 =	simm.s32 $0x1C00;
	s16 =	simm.s32 $0x5C00  }
0x77: {  	[tilespmem:s16], [sflag:$0x1] =	stream.indirect.gather [hbm4b:s1+s20], $0x1, s15, s20, $0xb8;
	[tilespmem:$0xB800] =	vst v63  }
0x78: {  	s18 =	simm.s32 $0x2000;
	s19 =	simm.s32 $0x6000  }
0x79: {  	[tilespmem:s19], [sflag:$0x1] =	stream.indirect.gather [hbm4b:s1+s20], $0x1, s18, s20, $0xb8;
	[tilespmem:$0xB800] =	vst v63  }
0x7a: {  	s11 =	simm.s32 $0x2400;
	s12 =	simm.s32 $0x6400  }
0x7b: {  	[tilespmem:s12], [sflag:$0x1] =	stream.indirect.gather [hbm4b:s1+s20], $0x1, s11, s20, $0xb8;
	[tilespmem:$0xB800] =	vst v63  }
0x7c: {  	s15 =	simm.s32 $0x2800;
	s16 =	simm.s32 $0x6800  }
0x7d: {  	[tilespmem:s16], [sflag:$0x1] =	stream.indirect.gather [hbm4b:s1+s20], $0x1, s15, s20, $0xb8;
	[tilespmem:$0xB800] =	vst v63  }
0x7e: {  	s18 =	simm.s32 $0x2C00;
	s19 =	simm.s32 $0x6C00  }
0x7f: {  	[tilespmem:s19], [sflag:$0x1] =	stream.indirect.gather [hbm4b:s1+s20], $0x1, s18, s20, $0xb8;
	[tilespmem:$0xB800] =	vst v63  }
0x80: {  	s10 =	simm.s32 $0x3000;
	s11 =	simm.s32 $0x7000;
	s16 =	rddreg [dreg:$0xa]  }
0x81: {  	[tilespmem:s11], [sflag:$0x1] =	stream.indirect.gather [hbm4b:s1+s20], $0x1, s10, s20, $0xb8;
	[tilespmem:$0xB800] =	vst v63  }
0x82: {  	s12 =	simm.s32 $0x3400;
	s15 =	simm.s32 $0x7400;
	s18 =	rddreg [dreg:$0xb]  }
0x83: {  	[tilespmem:s15], [sflag:$0x1] =	stream.indirect.gather [hbm4b:s1+s20], $0x1, s12, s20, $0xb8;
	[tilespmem:$0xB800] =	vst v63  }
0x84: {  	s19 =	rddreg [dreg:$0xc];
	s10 =	simm.s32 $0x0  }
0x85: {  	[tilespmem:s10], [sflag:$0x3] =	stream.linear.gather [hbm4b:s16+s10], $0x400, $0x38;
	[tilespmem:$0xB800] =	vst v63  }
0x86: {  	s11 =	rddreg [dreg:$0x10]  }
0x87: {  	[tilespmem:s20], [sflag:$0x3] =	stream.linear.gather [hbm4b:s18+s10], $0x400, $0x38;
	[tilespmem:$0xB800] =	vst v63  }
0x88: {  	s12 =	rddreg [dreg:$0xf]  }
0x89: {  	[tilespmem:s14], [sflag:$0x3] =	stream.linear.gather [hbm4b:s19+s10], $0x400, $0x38;
	[tilespmem:$0xB800] =	vst v63  }
.LBB2_4:
0x8a: {  	_ =	swait.ge [sflag:s13], $0x400  }
0x8b: {  	[sflag:s13] =	ssyncset.done $0x0  }
0x8c: {  	[sflag:s13] =	ssyncadd.s32 $0xFFFFFC00  }
0x8d: {  	_ =	swait.ge [sflag:s13], $0x400  }
0x8e: {  	[sflag:s13] =	ssyncset.done $0x0  }
0x8f: {  	[sflag:s13] =	ssyncadd.s32 $0xFFFFFC00  }
0x90: {  	_ =	swait.ge [sflag:s13], $0x400  }
0x91: {  	[sflag:s13] =	ssyncset.done $0x0  }
0x92: {  	s16 =	simm.s32 $0x0;
	[sflag:s13] =	ssyncadd.s32 $0xFFFFFC00  }
0x93: {  	v2 =	vmov s12;
	v3 =	vld [tilespmem:s16+$0xC00]  }
0x94: {  	v4 =	vshrl.u32 v2, $0xE;
	v5 =	vld [tilespmem:s16+$0x1000]  }
0x95: {  	v2 =	vshrl.u32 v2, $0x7;
	v4 =	vand.u32 $0x7F, v4  }
0x96: {  	v2 =	vand.u32 $0x7F, v2;
	v4 =	vcvt.s32.f32 v4;
	v6 =	vld [tilespmem:s16+$0x1400]  }
0x97: {  	v7 =	vor.u32 s12, v1;
	v2 =	vcvt.s32.f32 v2  }
0x98: {  	v7 =	vand.u32 $0x7F, v7;
	v3 =	vadd.f32 v4, v3  }
0x99: {  	v2 =	vadd.f32 v2, v5;
	v4 =	vcvt.s32.f32 v7  }
0x9a: {  	v3 =	vmax.f32 v3, $0.0e+00  }
0x9b: {  	v2 =	vmax.f32 v2, $0.0e+00;
	v7 =	vmin.f32 v3, $1.270000000e+02;
	v3 =	vadd.f32 v4, v6  }
0x9c: {  	v4 =	vmin.f32 v2, $1.270000000e+02;
	v5 =	vtrunc.f32 v7  }
0x9d: {  	v2 =	vtrunc.f32 v4;
	v9 =	vcvt.f32.s32 v5;
	v3 =	vmax.f32 v3, $0.0e+00  }
0x9e: {  	v13 =	vcvt.f32.s32 v2;
	v10 =	vadd.f32 $1.000000000e+00, v2;
	v5 =	vmin.f32 v3, $1.270000000e+02  }
0x9f: {  	v3 =	vcvt.s32.f32 v9;
	v6 =	vadd.s32 $0x1, v9;
	v11 =	vtrunc.f32 v5  }
0xa0: {  	v8 =	vadd.s32 $0x1, v13;
	v10 =	vmin.f32 v10, $1.270000000e+02;
	v2 =	vcvt.f32.s32 v11  }
0xa1: {  	vm0 =	vlt.s32 v6, $0x7F;
	vm14 =	vlt.s32 v8, $0x7F;
	v11 =	vadd.f32 $1.000000000e+00, v11  }
0xa2: {  	v12 =	vadd.f32 $1.000000000e+00, v3;
	v3 =	vnsel vm0, $0x7F, v6;
	v14 =	vadd.s32 $0x1, v2  }
0xa3: {  	v6 =	vnsel vm14, $0x7F, v8;
	v3 =	vshll.u32 v3, $0xE;
	vm15 =	vlt.s32 v14, $0x7F  }
0xa4: {  	v15 =	vshll.u32 v6, $0x7;
	v8 =	vadd.s32 v0, v3;
	v3 =	vnsel vm15, $0x7F, v14  }
0xa5: {  	v6 =	vadd.s32 v15, v8;
	v14 =	vmin.f32 v12, $1.270000000e+02;
	v12 =	vshll.u32 v9, $0xE  }
0xa6: {  	s14 =	sshll.u32 s10, $0xB;
	s18 =	simm.s32 $0x10;
	v13 =	vshll.u32 v13, $0x7;
	v16 =	vadd.s32 v3, v6;
	v12 =	vadd.s32 v0, v12  }
0xa7: {  	s7 =	simm.s32 $0x80;
	s19 =	sadd.s32 $0x10, s12;
	s15 =	sor.u32 $0x400, s14;
	v9 =	vmin.f32 v11, $1.270000000e+02;
	v11 =	vsub.f32 v14, v7;
	[tilespmem:s16+$0x5400] =	vst v16;
	v7 =	vadd.s32 v12, v15  }
.LBB2_5:
0xa8: {  	p0 =	sne.s32 s7, $0xFC0;
	v14 =	vmov s19;
	v15 =	vld [tilespmem:s18+$0xC00];
	v12 =	vadd.s32 v13, v12;
	v8 =	vadd.s32 v13, v8  }
0xa9: {  	v10 =	vsub.f32 v10, v4;
	v9 =	vsub.f32 v9, v5;
	v13 =	vshrl.u32 v14, $0xE;
	v16 =	vld [tilespmem:s18+$0x1000];
	[tilespmem:s16+$0xA400] =	vst v11  }
0xaa: {  	v4 =	vshrl.u32 v14, $0x7;
	v11 =	vadd.s32 v2, v8;
	v5 =	vand.u32 $0x7F, v13  }
0xab: {  	v8 =	vadd.s32 v3, v8;
	v4 =	vand.u32 $0x7F, v4;
	v5 =	vcvt.s32.f32 v5;
	v13 =	vld [tilespmem:s18+$0x1400];
	[tilespmem:s16+$0x4800] =	vst v11  }
0xac: {  	v6 =	vadd.s32 v2, v6;
	v11 =	vor.u32 s19, v1;
	v4 =	vcvt.s32.f32 v4;
	[tilespmem:s16+$0x4C00] =	vst v8  }
0xad: {  	v8 =	vand.u32 $0x7F, v11;
	v11 =	vadd.s32 v2, v7;
	v5 =	vadd.f32 v5, v15;
	[tilespmem:s16+$0x5000] =	vst v6  }
0xae: {  	v7 =	vadd.s32 v3, v7;
	v6 =	vcvt.s32.f32 v8;
	v4 =	vadd.f32 v4, v16;
	[tilespmem:s16+$0x4000] =	vst v11  }
0xaf: {  	v2 =	vadd.s32 v2, v12;
	v3 =	vadd.s32 v12, v3;
	v5 =	vmax.f32 v5, $0.0e+00;
	[tilespmem:s16+$0x4400] =	vst v7  }
0xb0: {  	v7 =	vmin.f32 v5, $1.270000000e+02;
	v4 =	vmax.f32 v4, $0.0e+00;
	v5 =	vadd.f32 v6, v13;
	[tilespmem:s16+$0x3800] =	vst v2  }
0xb1: {  	v2 =	vtrunc.f32 v7;
	v4 =	vmin.f32 v4, $1.270000000e+02;
	[tilespmem:s16+$0x3C00] =	vst v3  }
0xb2: {  	v11 =	vcvt.f32.s32 v2;
	v2 =	vtrunc.f32 v4;
	v3 =	vmax.f32 v5, $0.0e+00;
	[tilespmem:s16+$0xA800] =	vst v10  }
0xb3: {  	v13 =	vcvt.f32.s32 v2;
	v10 =	vadd.f32 $1.000000000e+00, v2;
	v5 =	vmin.f32 v3, $1.270000000e+02;
	[tilespmem:s16+$0xAC00] =	vst v9;
	s16 =	smov.u32 s18  }
0xb4: {  	v3 =	vcvt.s32.f32 v11;
	v6 =	vadd.s32 $0x1, v11;
	v9 =	vtrunc.f32 v5  }
0xb5: {  	vm0 =	vlt.s32 v6, $0x7F;
	v8 =	vadd.s32 $0x1, v13;
	v2 =	vcvt.f32.s32 v9  }
0xb6: {  	v12 =	vadd.f32 $1.000000000e+00, v3;
	v3 =	vnsel vm0, $0x7F, v6;
	vm0 =	vlt.s32 v8, $0x7F  }
0xb7: {  	v6 =	vnsel vm0, $0x7F, v8;
	v14 =	vadd.s32 $0x1, v2;
	v3 =	vshll.u32 v3, $0xE  }
.Ltmp1:
0xb8: {  	vm0 =	vlt.s32 v14, $0x7F;
	v8 =	vadd.s32 v0, v3;
	v15 =	vshll.u32 v6, $0x7;
	(pc) =	sbr.rel @p0 .LBB2_5-.Ltmp1, $4  }
0xb9: {  	v9 =	vadd.f32 $1.000000000e+00, v9;
	v3 =	vnsel vm0, $0x7F, v14;
	v6 =	vadd.s32 v15, v8  }
0xba: {  	v11 =	vshll.u32 v11, $0xE;
	v14 =	vmin.f32 v12, $1.270000000e+02;
	v16 =	vadd.s32 v3, v6  }
0xbb: {  	v10 =	vmin.f32 v10, $1.270000000e+02;
	v9 =	vmin.f32 v9, $1.270000000e+02;
	v12 =	vadd.s32 v0, v11;
	[tilespmem:s16+$0x5400] =	vst v16  }
0xbc: {  	s19 =	sadd.s32 $0x10, s19;
	s18 =	sshra.s32 s7, $0x2;
	s7 =	sadd.s32 $0x40, s7;
	v13 =	vshll.u32 v13, $0x7;
	v11 =	vsub.f32 v14, v7;
	v7 =	vadd.s32 v12, v15  }
0xbd: {  	v14 =	vmov s19;
	v15 =	vld [tilespmem:s18+$0xC00]  }
0xbe: {  	v12 =	vadd.s32 v13, v12;
	v8 =	vadd.s32 v13, v8;
	v16 =	vld [tilespmem:s18+$0x1000];
	v13 =	vshrl.u32 v14, $0xE  }
0xbf: {  	v4 =	vsub.f32 v10, v4;
	[tilespmem:s16+$0xA400] =	vst v11;
	v10 =	vshrl.u32 v14, $0x7;
	v11 =	vand.u32 $0x7F, v13  }
0xc0: {  	v5 =	vsub.f32 v9, v5;
	v9 =	vand.u32 $0x7F, v10;
	v10 =	vcvt.s32.f32 v11;
	v11 =	vld [tilespmem:s18+$0x1400]  }
0xc1: {  	v6 =	vadd.s32 v2, v6;
	v14 =	vor.u32 s19, v1;
	v9 =	vcvt.s32.f32 v9  }
0xc2: {  	v13 =	vadd.s32 v2, v8;
	v14 =	vand.u32 $0x7F, v14;
	v10 =	vadd.f32 v10, v15  }
0xc3: {  	v8 =	vadd.s32 v3, v8;
	v14 =	vcvt.s32.f32 v14;
	v9 =	vadd.f32 v9, v16  }
0xc4: {  	v15 =	vadd.s32 v2, v7;
	v7 =	vadd.s32 v3, v7;
	v10 =	vmax.f32 v10, $0.0e+00  }
0xc5: {  	v9 =	vmax.f32 v9, $0.0e+00;
	v10 =	vmin.f32 v10, $1.270000000e+02;
	v11 =	vadd.f32 v14, v11  }
0xc6: {  	v2 =	vadd.s32 v2, v12;
	v9 =	vmin.f32 v9, $1.270000000e+02;
	v14 =	vtrunc.f32 v10  }
0xc7: {  	[tilespmem:s16+$0x4800] =	vst v13;
	v13 =	vcvt.f32.s32 v14;
	v14 =	vtrunc.f32 v9;
	v11 =	vmax.f32 v11, $0.0e+00  }
0xc8: {  	[tilespmem:s16+$0x4C00] =	vst v8;
	v3 =	vadd.s32 v12, v3;
	v8 =	vcvt.f32.s32 v14;
	v11 =	vmin.f32 v11, $1.270000000e+02  }
0xc9: {  	[tilespmem:s16+$0x5000] =	vst v6;
	v6 =	vcvt.s32.f32 v13;
	v12 =	vadd.s32 $0x1, v13;
	v16 =	vtrunc.f32 v11  }
0xca: {  	[tilespmem:s16+$0x4000] =	vst v15;
	vm0 =	vlt.s32 v12, $0x7F;
	v15 =	vadd.s32 $0x1, v8;
	v17 =	vcvt.f32.s32 v16  }
0xcb: {  	[tilespmem:s16+$0x4400] =	vst v7;
	v6 =	vadd.f32 $1.000000000e+00, v6;
	v7 =	vnsel vm0, $0x7F, v12;
	vm14 =	vlt.s32 v15, $0x7F  }
0xcc: {  	[tilespmem:s16+$0x3800] =	vst v2;
	v2 =	vnsel vm14, $0x7F, v15;
	v12 =	vadd.s32 $0x1, v17;
	v7 =	vshll.u32 v7, $0xE  }
0xcd: {  	[tilespmem:s16+$0x3C00] =	vst v3;
	vm15 =	vlt.s32 v12, $0x7F;
	v3 =	vadd.s32 v0, v7;
	v2 =	vshll.u32 v2, $0x7  }
0xce: {  	[tilespmem:s16+$0xA800] =	vst v4;
	v6 =	vmin.f32 v6, $1.270000000e+02;
	v4 =	vnsel vm15, $0x7F, v12;
	v7 =	vadd.s32 v2, v3  }
0xcf: {  	[tilespmem:s16+$0xAC00] =	vst v5;
	v8 =	vshll.u32 v8, $0x7;
	v6 =	vsub.f32 v6, v10;
	v5 =	vadd.s32 v4, v7  }
0xd0: {  	v3 =	vadd.s32 v8, v3;
	[tilespmem:s18+$0x5400] =	vst v5  }
0xd1: {  	v5 =	vshll.u32 v13, $0xE;
	[tilespmem:s18+$0xA400] =	vst v6;
	v6 =	vadd.s32 v17, v3  }
0xd2: {  	v3 =	vadd.s32 v4, v3;
	v5 =	vadd.s32 v0, v5;
	[tilespmem:s18+$0x4800] =	vst v6  }
0xd3: {  	[tilespmem:s18+$0x4C00] =	vst v3;
	v3 =	vadd.s32 v17, v7;
	v2 =	vadd.s32 v5, v2  }
0xd4: {  	v6 =	vadd.f32 $1.000000000e+00, v14;
	[tilespmem:s18+$0x5000] =	vst v3;
	v7 =	vadd.s32 v17, v2  }
0xd5: {  	v3 =	vadd.f32 $1.000000000e+00, v16;
	v5 =	vadd.s32 v8, v5;
	v2 =	vadd.s32 v4, v2;
	[tilespmem:s18+$0x4000] =	vst v7  }
0xd6: {  	v6 =	vmin.f32 v6, $1.270000000e+02;
	v4 =	vadd.s32 v5, v4;
	[tilespmem:s18+$0x4400] =	vst v2  }
0xd7: {  	v7 =	vadd.s32 v17, v5;
	v2 =	vmin.f32 v3, $1.270000000e+02;
	v3 =	vsub.f32 v6, v9;
	[tilespmem:s18+$0x3C00] =	vst v4  }
0xd8: {  	[tilespmem:s18+$0x3800] =	vst v7;
	v2 =	vsub.f32 v2, v11  }
0xd9: {  	[tilespmem:s18+$0xA800] =	vst v3  }
0xda: {  	s7 =	simm.s32 $0x3800;
	s19 =	simm.s32 $0x7800;
	[tilespmem:s18+$0xAC00] =	vst v2  }
0xdb: {  	[tilespmem:s19], [sflag:$0x2] =	stream.indirect.gather [hbm4b:s1+s20], $0x1, s7, s20, $0xb8;
	[tilespmem:$0xB800] =	vst v63  }
0xdc: {  	p1 =	seq.s32 s10, $0x3F;
	s18 =	simm.s32 $0x3C00;
	s19 =	simm.s32 $0x7C00  }
0xdd: {  	[tilespmem:s19], [sflag:$0x2] =	stream.indirect.gather [hbm4b:s1+s20], $0x1, s18, s20, $0xb8;
	[tilespmem:$0xB800] =	vst v63  }
0xde: {  	s7 =	sadd.s32 @!p1 $0xC00, s14;
	s18 =	simm.s32 $0x4000;
	s19 =	simm.s32 $0x8000  }
0xdf: {  	[tilespmem:s19], [sflag:$0x2] =	stream.indirect.gather [hbm4b:s1+s20], $0x1, s18, s20, $0xb8;
	[tilespmem:$0xB800] =	vst v63  }
0xe0: {  	s16 =	sadd.s32 @!p1 s4, s7  }
0xe1: {  	[tilespmem:s26], [sflag:$0x2] =	stream.indirect.gather [hbm4b:s1+s20], $0x1, s17, s20, $0xb8;
	[tilespmem:$0xB800] =	vst v63  }
0xe2: {  	s16 =	sshrl.u32 @!p1 s16, $0xE  }
0xe3: {  	[tilespmem:s29], [sflag:$0x2] =	stream.indirect.gather [hbm4b:s1+s20], $0x1, s28, s20, $0xb8;
	[tilespmem:$0xB800] =	vst v63  }
0xe4: {  	s7 =	sand.u32 @!p1 $0x3C00, s7;
	s16 =	smul.u32 @!p1 $0xC000, s16  }
0xe5: {  	[tilespmem:s31], [sflag:$0x2] =	stream.indirect.gather [hbm4b:s1+s20], $0x1, s30, s20, $0xb8;
	[tilespmem:$0xB800] =	vst v63  }
0xe6: {  	s7 =	sor.u32 @!p1 s7, s16  }
0xe7: {  	[tilespmem:s0], [sflag:$0x2] =	stream.indirect.gather [hbm4b:s1+s20], $0x1, s2, s20, $0xb8;
	[tilespmem:$0xB800] =	vst v63  }
0xe8: {  	s16 =	sshrl.u32 @!p1 s7, $0x3  }
0xe9: {  	[tilespmem:s23], [sflag:$0x2] =	stream.indirect.gather [hbm4b:s1+s20], $0x1, s22, s20, $0xb8;
	[tilespmem:$0xB800] =	vst v63  }
0xea: {  	s18 =	simm.s32 @!p1 $0x0;
	s19 =	simm.s32 @!p1 $0xC00;
	s16 =	sadd.s32 @!p1 s3, s16  }
0xeb: {  	[tilespmem:s19], [sflag:$0x4] =	stream.linear.gather @!p1 [hbm4b:s16+s18], $0x400, $0x38;
	[tilespmem:$0xB800] =	vst v63  }
0xec: {  	s16 =	sadd.s32 @!p1 $0x4000, s7  }
0xed: {  	s7 =	sadd.s32 @!p1 $0x8000, s7;
	s16 =	sshrl.u32 @!p1 s16, $0x3  }
0xee: {  	s19 =	simm.s32 @!p1 $0x1000;
	s7 =	sshrl.u32 @!p1 s7, $0x3;
	s16 =	sadd.s32 @!p1 s3, s16  }
0xef: {  	[tilespmem:s19], [sflag:$0x4] =	stream.linear.gather @!p1 [hbm4b:s16+s18], $0x400, $0x38;
	[tilespmem:$0xB800] =	vst v63  }
0xf0: {  	s7 =	sadd.s32 @!p1 s3, s7;
	s16 =	simm.s32 @!p1 $0x1400  }
0xf1: {  	[tilespmem:s16], [sflag:$0x4] =	stream.linear.gather @!p1 [hbm4b:s7+s18], $0x400, $0x38;
	[tilespmem:$0xB800] =	vst v63  }
0xf2: {  	_ =	swait.ge [sflag:s24], $0x400  }
0xf3: {  	[sflag:s24] =	ssyncset.done $0x0  }
0xf4: {  	[sflag:s24] =	ssyncadd.s32 $0xFFFFFC00  }
0xf5: {  	_ =	swait.ge [sflag:s24], $0x400  }
0xf6: {  	[sflag:s24] =	ssyncset.done $0x0  }
0xf7: {  	[sflag:s24] =	ssyncadd.s32 $0xFFFFFC00  }
0xf8: {  	_ =	swait.ge [sflag:s24], $0x400  }
0xf9: {  	[sflag:s24] =	ssyncset.done $0x0  }
0xfa: {  	[sflag:s24] =	ssyncadd.s32 $0xFFFFFC00  }
0xfb: {  	_ =	swait.ge [sflag:s24], $0x400  }
0xfc: {  	[sflag:s24] =	ssyncset.done $0x0  }
0xfd: {  	[sflag:s24] =	ssyncadd.s32 $0xFFFFFC00  }
0xfe: {  	_ =	swait.ge [sflag:s24], $0x400  }
0xff: {  	[sflag:s24] =	ssyncset.done $0x0  }
0x100: {  	[sflag:s24] =	ssyncadd.s32 $0xFFFFFC00  }
0x101: {  	_ =	swait.ge [sflag:s24], $0x400  }
0x102: {  	[sflag:s24] =	ssyncset.done $0x0  }
0x103: {  	[sflag:s24] =	ssyncadd.s32 $0xFFFFFC00  }
0x104: {  	_ =	swait.ge [sflag:s24], $0x400  }
0x105: {  	[sflag:s24] =	ssyncset.done $0x0  }
0x106: {  	[sflag:s24] =	ssyncadd.s32 $0xFFFFFC00  }
0x107: {  	_ =	swait.ge [sflag:s24], $0x400  }
0x108: {  	p0 =	seq.s32 s10, $0x0;
	[sflag:s24] =	ssyncset.done $0x0  }
0x109: {  	s7 =	simm.s32 @!p0 $0x5;
	[sflag:s24] =	ssyncadd.s32 $0xFFFFFC00  }
0x10a: {  	_ =	swait.ge @!p0 [sflag:s7], $0x400  }
0x10b: {  	[sflag:s7] =	ssyncset.done @!p0 $0x0  }
0x10c: {  	s18 =	simm.s32 $0x0;
	[sflag:s7] =	ssyncadd.s32 @!p0 $0xFFFFFC00  }
0x10d: {  	v2 =	vld [tilespmem:s18+$0x9800]  }
0x10e: {  	v3 =	vld [tilespmem:s18+$0x9C00]  }
0x10f: {  	v5 =	vld [tilespmem:s18+$0xA000];
	_ =	sdelay $0x2  }
0x110: {  	v4 =	vld [tilespmem:s18+$0x5800]  }
0x111: {  	v7 =	vld [tilespmem:s18+$0x5C00];
	v6 =	vmul.f32 v3, v2  }
0x112: {  	v8 =	vsub.f32 $1.000000000e+00, v3;
	v10 =	vsub.f32 $1.000000000e+00, v5  }
0x113: {  	v11 =	vld [tilespmem:s18+$0x6000];
	v9 =	vmul.f32 v5, v6  }
0x114: {  	s16 =	simm.s32 $0x10;
	v13 =	vld [tilespmem:s18+$0x6400];
	v12 =	vmul.f32 v8, v2;
	v6 =	vmul.f32 v10, v6  }
0x115: {  	v15 =	vld [tilespmem:s16+$0x9800];
	v14 =	vsub.f32 $1.000000000e+00, v2;
	v4 =	vmul.f32 v4, v9  }
0x116: {  	v16 =	vld [tilespmem:s16+$0x9C00];
	v6 =	vmul.f32 v7, v6;
	v7 =	vmul.f32 v12, v5  }
0x117: {  	v3 =	vmul.f32 v3, v14;
	v9 =	vld [tilespmem:s18+$0x6800]  }
0x118: {  	v2 =	vld [tilespmem:s16+$0xA000];
	v4 =	vadd.f32 v6, v4;
	v6 =	vmul.f32 v11, v7;
	v7 =	vmul.f32 v10, v12  }
0x119: {  	v14 =	vmul.f32 v8, v14;
	v11 =	vld [tilespmem:s18+$0x6C00]  }
0x11a: {  	v17 =	vld [tilespmem:s18+$0x7000];
	v12 =	vmul.f32 v5, v3;
	v6 =	vadd.f32 v6, v4;
	v7 =	vmul.f32 v13, v7  }
0x11b: {  	v18 =	vld [tilespmem:s16+$0x5800];
	v22 =	vmul.f32 v14, v5;
	v13 =	vmul.f32 v16, v15  }
0x11c: {  	v19 =	vld [tilespmem:s16+$0x5C00];
	v6 =	vadd.f32 v7, v6;
	v7 =	vmul.f32 v9, v12;
	v12 =	vmul.f32 v10, v3  }
0x11d: {  	v21 =	vld [tilespmem:s18+$0x7400];
	v23 =	vmul.f32 v10, v14;
	v4 =	vsub.f32 $1.000000000e+00, v16;
	v3 =	vsub.f32 $1.000000000e+00, v2  }
0x11e: {  	s19 =	simm.s32 $0x20;
	v20 =	vmul.f32 v2, v13;
	v9 =	vld [tilespmem:s16+$0x6000];
	v6 =	vadd.f32 v7, v6;
	v12 =	vmul.f32 v11, v12  }
0x11f: {  	v5 =	vld [tilespmem:s19+$0x9800];
	v8 =	vmul.f32 v4, v15;
	v7 =	vsub.f32 $1.000000000e+00, v15;
	v15 =	vmul.f32 v3, v13  }
0x120: {  	v17 =	vmul.f32 v17, v22;
	v11 =	vld [tilespmem:s16+$0x6400];
	v13 =	vmul.f32 v18, v20;
	v18 =	vadd.f32 v12, v6  }
0x121: {  	v6 =	vld [tilespmem:s19+$0x9C00];
	v14 =	vmul.f32 v19, v15;
	v15 =	vmul.f32 v8, v2  }
0x122: {  	s15 =	sor.u32 s4, s15;
	s7 =	simm.s32 $0xC0;
	v10 =	vmul.f32 v16, v7;
	v12 =	vld [tilespmem:s16+$0x6800];
	v16 =	vadd.f32 v17, v18;
	v17 =	vmul.f32 v21, v23  }
.LBB2_7:
0x123: {  	p2 =	sne.s32 s7, $0xFC0;
	v18 =	vld [tilespmem:s19+$0xA000];
	v13 =	vadd.f32 v14, v13;
	v9 =	vmul.f32 v9, v15;
	v8 =	vmul.f32 v3, v8  }
0x124: {  	v14 =	vld [tilespmem:s16+$0x6C00];
	v15 =	vadd.f32 v17, v16  }
0x125: {  	v9 =	vadd.f32 v9, v13;
	v8 =	vmul.f32 v11, v8;
	v11 =	vmul.f32 v2, v10;
	v16 =	vld [tilespmem:s16+$0x7000]  }
0x126: {  	v19 =	vmul.f32 v4, v7;
	v13 =	vmul.f32 v6, v5;
	v17 =	vld [tilespmem:s19+$0x5800];
	v4 =	vsub.f32 $1.000000000e+00, v6;
	[tilespmem:s18+$0xB000] =	vst v15;
	v20 =	vmovc v6;
	s18 =	smov.u32 s16;
	s16 =	smov.u32 s19  }
0x127: {  	v10 =	vmul.f32 v3, v10;
	v15 =	vld [tilespmem:s16+$0x5C00];
	v6 =	vadd.f32 v8, v9;
	v7 =	vmul.f32 v12, v11  }
0x128: {  	v12 =	vsub.f32 $1.000000000e+00, v18;
	v8 =	vmul.f32 v4, v5;
	v21 =	vmul.f32 v18, v13;
	v22 =	vld [tilespmem:s18+$0x7400]  }
.Ltmp2:
0x129: {  	v9 =	vld [tilespmem:s16+$0x6000];
	v6 =	vadd.f32 v7, v6;
	v10 =	vmul.f32 v14, v10;
	v14 =	vmul.f32 v19, v2;
	v2 =	vmovc v18;
	(pc) =	sbr.rel @p2 .LBB2_7-.Ltmp2, $4  }
0x12a: {  	s19 =	sshra.s32 s7, $0x2;
	v7 =	vsub.f32 $1.000000000e+00, v5;
	v19 =	vmul.f32 v3, v19;
	v18 =	vmul.f32 v12, v13;
	v11 =	vld [tilespmem:s16+$0x6400];
	v3 =	vmovc v12  }
0x12b: {  	v5 =	vld [tilespmem:s19+$0x9800];
	v13 =	vmul.f32 v17, v21;
	v17 =	vadd.f32 v10, v6;
	v16 =	vmul.f32 v16, v14  }
0x12c: {  	v6 =	vld [tilespmem:s19+$0x9C00];
	v14 =	vmul.f32 v15, v18;
	v15 =	vmul.f32 v8, v2  }
0x12d: {  	s7 =	sadd.s32 $0x40, s7;
	v10 =	vmul.f32 v20, v7;
	v12 =	vld [tilespmem:s16+$0x6800];
	v16 =	vadd.f32 v16, v17;
	v17 =	vmul.f32 v22, v19  }
0x12e: {  	v18 =	vld [tilespmem:s19+$0xA000];
	v13 =	vadd.f32 v14, v13;
	v9 =	vmul.f32 v9, v15;
	v8 =	vmul.f32 v3, v8  }
0x12f: {  	v37 =	vld [tilespmem:s16+$0x6C00];
	v4 =	vmul.f32 v4, v7;
	v38 =	vadd.f32 v17, v16;
	v40 =	vmul.f32 v2, v10  }
0x130: {  	v39 =	vld [tilespmem:s16+$0x7000];
	v45 =	vmul.f32 v3, v10;
	v9 =	vadd.f32 v9, v13;
	v8 =	vmul.f32 v11, v8  }
0x131: {  	v41 =	vld [tilespmem:s19+$0x5800];
	v2 =	vmul.f32 v4, v2;
	v50 =	vsub.f32 $1.000000000e+00, v5;
	v3 =	vmul.f32 v3, v4;
	[tilespmem:s18+$0xB000] =	vst v38  }
0x132: {  	v42 =	vsub.f32 $1.000000000e+00, v6;
	v19 =	vmul.f32 v6, v5;
	v43 =	vld [tilespmem:s19+$0x5C00];
	v8 =	vadd.f32 v8, v9  }
0x133: {  	v44 =	vmul.f32 v12, v40;
	v20 =	vld [tilespmem:s16+$0x7400];
	v54 =	vmul.f32 v6, v50;
	v46 =	vsub.f32 $1.000000000e+00, v18  }
0x134: {  	v21 =	vld [tilespmem:s19+$0x6000];
	v47 =	vmul.f32 v42, v5;
	v48 =	vmul.f32 v18, v19  }
0x135: {  	v49 =	vmul.f32 v37, v45;
	v8 =	vadd.f32 v44, v8;
	v51 =	vmul.f32 v46, v19  }
0x136: {  	v52 =	vld [tilespmem:s19+$0x6400];
	v2 =	vmul.f32 v39, v2;
	v13 =	vmul.f32 v41, v48  }
0x137: {  	v53 =	vmul.f32 v47, v18;
	v8 =	vadd.f32 v49, v8;
	v7 =	vmul.f32 v43, v51  }
0x138: {  	v55 =	vld [tilespmem:s19+$0x6800];
	v57 =	vmul.f32 v46, v47;
	v3 =	vmul.f32 v20, v3  }
0x139: {  	v56 =	vmul.f32 v21, v53;
	v2 =	vadd.f32 v2, v8;
	v7 =	vadd.f32 v7, v13  }
0x13a: {  	v58 =	vld [tilespmem:s19+$0x6C00];
	v59 =	vmul.f32 v18, v54  }
0x13b: {  	v4 =	vmul.f32 v52, v57;
	v2 =	vadd.f32 v3, v2;
	v3 =	vadd.f32 v56, v7  }
0x13c: {  	v60 =	vld [tilespmem:s19+$0x7000];
	v5 =	vmul.f32 v42, v50  }
0x13d: {  	v61 =	vmul.f32 v46, v54;
	[tilespmem:s16+$0xB000] =	vst v2;
	v2 =	vadd.f32 v4, v3;
	v3 =	vmul.f32 v55, v59  }
0x13e: {  	v62 =	vld [tilespmem:s19+$0x7400]  }
0x13f: {  	v63 =	vmul.f32 v5, v18;
	v2 =	vadd.f32 v3, v2;
	v3 =	vmul.f32 v58, v61;
	_ =	sdelay $0x1  }
0x140: {  	v5 =	vmul.f32 v46, v5;
	v2 =	vadd.f32 v3, v2;
	v3 =	vmul.f32 v60, v63;
	_ =	sdelay $0x1  }
0x141: {  	v2 =	vadd.f32 v3, v2;
	v3 =	vmul.f32 v62, v5  }
.Ltmp3:
0x142: {  	_ = 	snop;
	(pc) =	sbr.rel @p1 .LBB2_12-.Ltmp3, $4  }
0x143: {  	s7 =	sor.u32 s4, s14;
	v2 =	vadd.f32 v3, v2  }
0x144: {  	s7 =	sshrl.u32 s7, $0x3  }
0x145: {  	s7 =	sadd.s32 s5, s7;
	[tilespmem:s19+$0xB000] =	vst v2  }
0x146: {  	[hbm4b:s7+s6] =	stream.linear.scatter [tilespmem:s21], [sflag:$0x5], $0x400, $0x38;
	[tilespmem:$0xB800] =	vst v63  }
0x147: {  	_ =	swait.ge [sflag:s25], $0x400  }
0x148: {  	[sflag:s25] =	ssyncset.done $0x0  }
0x149: {  	[sflag:s25] =	ssyncadd.s32 $0xFFFFFC00  }
0x14a: {  	_ =	swait.ge [sflag:s25], $0x400  }
0x14b: {  	[sflag:s25] =	ssyncset.done $0x0  }
0x14c: {  	[sflag:s25] =	ssyncadd.s32 $0xFFFFFC00  }
0x14d: {  	_ =	swait.ge [sflag:s25], $0x400  }
0x14e: {  	[sflag:s25] =	ssyncset.done $0x0  }
0x14f: {  	s16 =	simm.s32 $0x0;
	[sflag:s25] =	ssyncadd.s32 $0xFFFFFC00  }
0x150: {  	v2 =	vmov s11;
	v3 =	vld [tilespmem:s16+$0x0]  }
0x151: {  	v4 =	vshrl.u32 v2, $0xE;
	v5 =	vld [tilespmem:s16+$0x400]  }
0x152: {  	v2 =	vshrl.u32 v2, $0x7;
	v4 =	vand.u32 $0x7F, v4  }
0x153: {  	v2 =	vand.u32 $0x7F, v2;
	v4 =	vcvt.s32.f32 v4;
	v6 =	vld [tilespmem:s16+$0x800]  }
0x154: {  	v7 =	vor.u32 s11, v1;
	v2 =	vcvt.s32.f32 v2  }
0x155: {  	v7 =	vand.u32 $0x7F, v7;
	v3 =	vadd.f32 v4, v3  }
0x156: {  	v2 =	vadd.f32 v2, v5;
	v4 =	vcvt.s32.f32 v7  }
0x157: {  	v3 =	vmax.f32 v3, $0.0e+00  }
0x158: {  	v2 =	vmax.f32 v2, $0.0e+00;
	v7 =	vmin.f32 v3, $1.270000000e+02;
	v3 =	vadd.f32 v4, v6  }
0x159: {  	v4 =	vmin.f32 v2, $1.270000000e+02;
	v5 =	vtrunc.f32 v7  }
0x15a: {  	v2 =	vtrunc.f32 v4;
	v9 =	vcvt.f32.s32 v5;
	v3 =	vmax.f32 v3, $0.0e+00  }
0x15b: {  	v13 =	vcvt.f32.s32 v2;
	v10 =	vadd.f32 $1.000000000e+00, v2;
	v5 =	vmin.f32 v3, $1.270000000e+02  }
0x15c: {  	v3 =	vcvt.s32.f32 v9;
	v6 =	vadd.s32 $0x1, v9;
	v11 =	vtrunc.f32 v5  }
0x15d: {  	v8 =	vadd.s32 $0x1, v13;
	v10 =	vmin.f32 v10, $1.270000000e+02;
	v2 =	vcvt.f32.s32 v11  }
0x15e: {  	vm0 =	vlt.s32 v6, $0x7F;
	vm14 =	vlt.s32 v8, $0x7F;
	v11 =	vadd.f32 $1.000000000e+00, v11  }
0x15f: {  	v12 =	vadd.f32 $1.000000000e+00, v3;
	v3 =	vnsel vm0, $0x7F, v6;
	v14 =	vadd.s32 $0x1, v2  }
0x160: {  	v6 =	vnsel vm14, $0x7F, v8;
	v3 =	vshll.u32 v3, $0xE;
	vm15 =	vlt.s32 v14, $0x7F  }
0x161: {  	v15 =	vshll.u32 v6, $0x7;
	v8 =	vadd.s32 v0, v3;
	v3 =	vnsel vm15, $0x7F, v14  }
0x162: {  	v6 =	vadd.s32 v15, v8;
	v14 =	vmin.f32 v12, $1.270000000e+02;
	v12 =	vshll.u32 v9, $0xE  }
0x163: {  	v13 =	vshll.u32 v13, $0x7;
	v16 =	vadd.s32 v3, v6;
	v12 =	vadd.s32 v0, v12  }
0x164: {  	s18 =	simm.s32 $0x10;
	s7 =	simm.s32 $0x80;
	s19 =	sadd.s32 $0x10, s11;
	v9 =	vmin.f32 v11, $1.270000000e+02;
	v11 =	vsub.f32 v14, v7;
	[tilespmem:s16+$0x3400] =	vst v16;
	v7 =	vadd.s32 v12, v15  }
.LBB2_10:
0x165: {  	p1 =	sne.s32 s7, $0xFC0;
	v14 =	vmov s19;
	v15 =	vld [tilespmem:s18+$0x0];
	v12 =	vadd.s32 v13, v12;
	v8 =	vadd.s32 v13, v8  }
0x166: {  	v10 =	vsub.f32 v10, v4;
	v9 =	vsub.f32 v9, v5;
	v13 =	vshrl.u32 v14, $0xE;
	v16 =	vld [tilespmem:s18+$0x400];
	[tilespmem:s16+$0x9800] =	vst v11  }
0x167: {  	v4 =	vshrl.u32 v14, $0x7;
	v11 =	vadd.s32 v2, v8;
	v5 =	vand.u32 $0x7F, v13  }
0x168: {  	v8 =	vadd.s32 v3, v8;
	v4 =	vand.u32 $0x7F, v4;
	v5 =	vcvt.s32.f32 v5;
	v13 =	vld [tilespmem:s18+$0x800];
	[tilespmem:s16+$0x2800] =	vst v11  }
0x169: {  	v6 =	vadd.s32 v2, v6;
	v11 =	vor.u32 s19, v1;
	v4 =	vcvt.s32.f32 v4;
	[tilespmem:s16+$0x2C00] =	vst v8  }
0x16a: {  	v8 =	vand.u32 $0x7F, v11;
	v11 =	vadd.s32 v2, v7;
	v5 =	vadd.f32 v5, v15;
	[tilespmem:s16+$0x3000] =	vst v6  }
0x16b: {  	v7 =	vadd.s32 v3, v7;
	v6 =	vcvt.s32.f32 v8;
	v4 =	vadd.f32 v4, v16;
	[tilespmem:s16+$0x2000] =	vst v11  }
0x16c: {  	v2 =	vadd.s32 v2, v12;
	v3 =	vadd.s32 v12, v3;
	v5 =	vmax.f32 v5, $0.0e+00;
	[tilespmem:s16+$0x2400] =	vst v7  }
0x16d: {  	v7 =	vmin.f32 v5, $1.270000000e+02;
	v4 =	vmax.f32 v4, $0.0e+00;
	v5 =	vadd.f32 v6, v13;
	[tilespmem:s16+$0x1800] =	vst v2  }
0x16e: {  	v2 =	vtrunc.f32 v7;
	v4 =	vmin.f32 v4, $1.270000000e+02;
	[tilespmem:s16+$0x1C00] =	vst v3  }
0x16f: {  	v11 =	vcvt.f32.s32 v2;
	v2 =	vtrunc.f32 v4;
	v3 =	vmax.f32 v5, $0.0e+00;
	[tilespmem:s16+$0x9C00] =	vst v10  }
0x170: {  	v13 =	vcvt.f32.s32 v2;
	v10 =	vadd.f32 $1.000000000e+00, v2;
	v5 =	vmin.f32 v3, $1.270000000e+02;
	[tilespmem:s16+$0xA000] =	vst v9;
	s16 =	smov.u32 s18  }
0x171: {  	v3 =	vcvt.s32.f32 v11;
	v6 =	vadd.s32 $0x1, v11;
	v9 =	vtrunc.f32 v5  }
0x172: {  	vm0 =	vlt.s32 v6, $0x7F;
	v8 =	vadd.s32 $0x1, v13;
	v2 =	vcvt.f32.s32 v9  }
0x173: {  	v12 =	vadd.f32 $1.000000000e+00, v3;
	v3 =	vnsel vm0, $0x7F, v6;
	vm0 =	vlt.s32 v8, $0x7F  }
0x174: {  	v6 =	vnsel vm0, $0x7F, v8;
	v14 =	vadd.s32 $0x1, v2;
	v3 =	vshll.u32 v3, $0xE  }
.Ltmp4:
0x175: {  	vm0 =	vlt.s32 v14, $0x7F;
	v8 =	vadd.s32 v0, v3;
	v15 =	vshll.u32 v6, $0x7;
	(pc) =	sbr.rel @p1 .LBB2_10-.Ltmp4, $4  }
0x176: {  	v9 =	vadd.f32 $1.000000000e+00, v9;
	v3 =	vnsel vm0, $0x7F, v14;
	v6 =	vadd.s32 v15, v8  }
0x177: {  	v11 =	vshll.u32 v11, $0xE;
	v14 =	vmin.f32 v12, $1.270000000e+02;
	v16 =	vadd.s32 v3, v6  }
0x178: {  	v10 =	vmin.f32 v10, $1.270000000e+02;
	v9 =	vmin.f32 v9, $1.270000000e+02;
	v12 =	vadd.s32 v0, v11;
	[tilespmem:s16+$0x3400] =	vst v16  }
0x179: {  	s19 =	sadd.s32 $0x10, s19;
	s18 =	sshra.s32 s7, $0x2;
	s7 =	sadd.s32 $0x40, s7;
	v13 =	vshll.u32 v13, $0x7;
	v11 =	vsub.f32 v14, v7;
	v7 =	vadd.s32 v12, v15  }
0x17a: {  	v14 =	vmov s19;
	v15 =	vld [tilespmem:s18+$0x0]  }
0x17b: {  	v12 =	vadd.s32 v13, v12;
	v8 =	vadd.s32 v13, v8;
	v16 =	vld [tilespmem:s18+$0x400];
	v37 =	vshrl.u32 v14, $0xE  }
0x17c: {  	v4 =	vsub.f32 v10, v4;
	[tilespmem:s16+$0x9800] =	vst v11;
	v38 =	vshrl.u32 v14, $0x7;
	v39 =	vand.u32 $0x7F, v37  }
0x17d: {  	v5 =	vsub.f32 v9, v5;
	v40 =	vand.u32 $0x7F, v38;
	v42 =	vld [tilespmem:s18+$0x800];
	v41 =	vcvt.s32.f32 v39  }
0x17e: {  	v44 =	vor.u32 s19, v1;
	v6 =	vadd.s32 v2, v6;
	v9 =	vcvt.s32.f32 v40  }
0x17f: {  	v45 =	vadd.s32 v2, v7;
	v14 =	vand.u32 $0x7F, v44;
	v10 =	vadd.f32 v41, v15  }
0x180: {  	v46 =	vadd.s32 v3, v7;
	v14 =	vcvt.s32.f32 v14;
	v9 =	vadd.f32 v9, v16  }
0x181: {  	v43 =	vadd.s32 v2, v8;
	v8 =	vadd.s32 v3, v8;
	v10 =	vmax.f32 v10, $0.0e+00  }
0x182: {  	v9 =	vmax.f32 v9, $0.0e+00;
	v11 =	vadd.f32 v14, v42;
	v10 =	vmin.f32 v10, $1.270000000e+02  }
0x183: {  	v2 =	vadd.s32 v2, v12;
	v9 =	vmin.f32 v9, $1.270000000e+02;
	v47 =	vtrunc.f32 v10  }
0x184: {  	[tilespmem:s16+$0x2800] =	vst v43;
	v49 =	vtrunc.f32 v9;
	v11 =	vmax.f32 v11, $0.0e+00;
	v48 =	vcvt.f32.s32 v47  }
0x185: {  	v3 =	vadd.s32 v12, v3;
	[tilespmem:s16+$0x2C00] =	vst v8;
	v50 =	vcvt.f32.s32 v49;
	v11 =	vmin.f32 v11, $1.270000000e+02  }
0x186: {  	[tilespmem:s16+$0x3000] =	vst v6;
	v53 =	vtrunc.f32 v11;
	v51 =	vcvt.s32.f32 v48;
	v52 =	vadd.s32 $0x1, v48  }
0x187: {  	[tilespmem:s16+$0x2000] =	vst v45;
	v54 =	vadd.s32 $0x1, v50;
	v17 =	vcvt.f32.s32 v53;
	vm0 =	vlt.s32 v52, $0x7F  }
0x188: {  	[tilespmem:s16+$0x2400] =	vst v46;
	vm14 =	vlt.s32 v54, $0x7F;
	v6 =	vadd.f32 $1.000000000e+00, v51;
	v55 =	vnsel vm0, $0x7F, v52  }
0x189: {  	[tilespmem:s16+$0x1800] =	vst v2;
	v2 =	vnsel vm14, $0x7F, v54;
	v56 =	vadd.s32 $0x1, v17;
	v7 =	vshll.u32 v55, $0xE  }
0x18a: {  	[tilespmem:s16+$0x1C00] =	vst v3;
	vm15 =	vlt.s32 v56, $0x7F;
	v2 =	vshll.u32 v2, $0x7;
	v3 =	vadd.s32 v0, v7  }
0x18b: {  	[tilespmem:s16+$0x9C00] =	vst v4;
	v57 =	vnsel vm15, $0x7F, v56;
	v6 =	vmin.f32 v6, $1.270000000e+02;
	v7 =	vadd.s32 v2, v3  }
0x18c: {  	[tilespmem:s16+$0xA000] =	vst v5;
	v8 =	vshll.u32 v50, $0x7;
	v6 =	vsub.f32 v6, v10;
	v58 =	vadd.s32 v57, v7  }
0x18d: {  	v59 =	vshll.u32 v48, $0xE;
	v3 =	vadd.s32 v8, v3;
	[tilespmem:s18+$0x3400] =	vst v58  }
0x18e: {  	v5 =	vadd.s32 v0, v59;
	v60 =	vadd.s32 v17, v3;
	[tilespmem:s18+$0x9800] =	vst v6  }
0x18f: {  	v2 =	vadd.s32 v5, v2;
	v3 =	vadd.s32 v57, v3;
	[tilespmem:s18+$0x2800] =	vst v60  }
0x190: {  	v62 =	vadd.s32 v17, v2;
	[tilespmem:s18+$0x2C00] =	vst v3  }
0x191: {  	v61 =	vadd.f32 $1.000000000e+00, v49;
	v3 =	vadd.s32 v17, v7;
	[tilespmem:s18+$0x2000] =	vst v62  }
0x192: {  	v5 =	vadd.s32 v8, v5;
	v2 =	vadd.s32 v57, v2;
	[tilespmem:s18+$0x3000] =	vst v3;
	v3 =	vadd.f32 $1.000000000e+00, v53  }
0x193: {  	v63 =	vadd.s32 v17, v5;
	v6 =	vmin.f32 v61, $1.270000000e+02;
	[tilespmem:s18+$0x2400] =	vst v2  }
0x194: {  	v4 =	vadd.s32 v5, v57;
	[tilespmem:s18+$0x1800] =	vst v63;
	v2 =	vmin.f32 v3, $1.270000000e+02;
	v3 =	vsub.f32 v6, v9  }
0x195: {  	[tilespmem:s18+$0x1C00] =	vst v4;
	v2 =	vsub.f32 v2, v11  }
0x196: {  	[tilespmem:s18+$0x9C00] =	vst v3  }
0x197: {  	s7 =	simm.s32 $0x1800;
	s19 =	simm.s32 $0x5800;
	p1 =	sgt.u32 s10, $0x3D;
	[tilespmem:s18+$0xA000] =	vst v2  }
0x198: {  	[tilespmem:s19], [sflag:$0x1] =	stream.indirect.gather [hbm4b:s1+s20], $0x1, s7, s20, $0xb8;
	[tilespmem:$0xB800] =	vst v63  }
0x199: {  	s18 =	simm.s32 $0x1C00;
	s19 =	simm.s32 $0x5C00;
	s7 =	sadd.s32 @!p1 $0x1000, s14  }
0x19a: {  	[tilespmem:s19], [sflag:$0x1] =	stream.indirect.gather [hbm4b:s1+s20], $0x1, s18, s20, $0xb8;
	[tilespmem:$0xB800] =	vst v63  }
0x19b: {  	s14 =	sadd.s32 @!p1 s4, s7;
	s18 =	simm.s32 $0x2000;
	s19 =	simm.s32 $0x6000  }
0x19c: {  	[tilespmem:s19], [sflag:$0x1] =	stream.indirect.gather [hbm4b:s1+s20], $0x1, s18, s20, $0xb8;
	[tilespmem:$0xB800] =	vst v63  }
0x19d: {  	s7 =	sand.u32 @!p1 $0x3800, s7;
	s18 =	simm.s32 $0x2400;
	s19 =	simm.s32 $0x6400  }
0x19e: {  	[tilespmem:s19], [sflag:$0x1] =	stream.indirect.gather [hbm4b:s1+s20], $0x1, s18, s20, $0xb8;
	[tilespmem:$0xB800] =	vst v63  }
0x19f: {  	s14 =	sshrl.u32 @!p1 s14, $0xE;
	s18 =	simm.s32 $0x2800;
	s19 =	simm.s32 $0x6800  }
0x1a0: {  	[tilespmem:s19], [sflag:$0x1] =	stream.indirect.gather [hbm4b:s1+s20], $0x1, s18, s20, $0xb8;
	[tilespmem:$0xB800] =	vst v63  }
0x1a1: {  	s14 =	smul.u32 @!p1 $0xC000, s14;
	s18 =	simm.s32 $0x2C00;
	s19 =	simm.s32 $0x6C00  }
0x1a2: {  	[tilespmem:s19], [sflag:$0x1] =	stream.indirect.gather [hbm4b:s1+s20], $0x1, s18, s20, $0xb8;
	[tilespmem:$0xB800] =	vst v63  }
0x1a3: {  	s7 =	sor.u32 @!p1 s7, s14;
	s18 =	simm.s32 $0x3000;
	s19 =	simm.s32 $0x7000  }
0x1a4: {  	[tilespmem:s19], [sflag:$0x1] =	stream.indirect.gather [hbm4b:s1+s20], $0x1, s18, s20, $0xb8;
	[tilespmem:$0xB800] =	vst v63  }
0x1a5: {  	s14 =	sshrl.u32 @!p1 s7, $0x3;
	s18 =	simm.s32 $0x3400;
	s19 =	simm.s32 $0x7400  }
0x1a6: {  	[tilespmem:s19], [sflag:$0x1] =	stream.indirect.gather [hbm4b:s1+s20], $0x1, s18, s20, $0xb8;
	[tilespmem:$0xB800] =	vst v63  }
0x1a7: {  	s16 =	sadd.s32 @!p1 $0x4000, s7;
	s14 =	sadd.s32 @!p1 s3, s14;
	s18 =	simm.s32 @!p1 $0x0  }
0x1a8: {  	[tilespmem:s18], [sflag:$0x3] =	stream.linear.gather @!p1 [hbm4b:s14+s18], $0x400, $0x38;
	[tilespmem:$0xB800] =	vst v63  }
0x1a9: {  	s7 =	sadd.s32 @!p1 $0x8000, s7;
	s14 =	sshrl.u32 @!p1 s16, $0x3  }
0x1aa: {  	s7 =	sshrl.u32 @!p1 s7, $0x3;
	s16 =	simm.s32 @!p1 $0x400;
	s14 =	sadd.s32 @!p1 s3, s14  }
0x1ab: {  	[tilespmem:s16], [sflag:$0x3] =	stream.linear.gather @!p1 [hbm4b:s14+s18], $0x400, $0x38;
	[tilespmem:$0xB800] =	vst v63  }
0x1ac: {  	s7 =	sadd.s32 @!p1 s3, s7;
	s14 =	simm.s32 @!p1 $0x800  }
0x1ad: {  	[tilespmem:s14], [sflag:$0x3] =	stream.linear.gather @!p1 [hbm4b:s7+s18], $0x400, $0x38;
	[tilespmem:$0xB800] =	vst v63  }
.LBB2_12:
0x1ae: {  	_ =	swait.ge [sflag:s8], $0x400  }
0x1af: {  	[sflag:s8] =	ssyncset.done $0x0  }
0x1b0: {  	[sflag:s8] =	ssyncadd.s32 $0xFFFFFC00  }
0x1b1: {  	_ =	swait.ge [sflag:s8], $0x400  }
0x1b2: {  	[sflag:s8] =	ssyncset.done $0x0  }
0x1b3: {  	[sflag:s8] =	ssyncadd.s32 $0xFFFFFC00  }
0x1b4: {  	_ =	swait.ge [sflag:s8], $0x400  }
0x1b5: {  	[sflag:s8] =	ssyncset.done $0x0  }
0x1b6: {  	[sflag:s8] =	ssyncadd.s32 $0xFFFFFC00  }
0x1b7: {  	_ =	swait.ge [sflag:s8], $0x400  }
0x1b8: {  	[sflag:s8] =	ssyncset.done $0x0  }
0x1b9: {  	[sflag:s8] =	ssyncadd.s32 $0xFFFFFC00  }
0x1ba: {  	_ =	swait.ge [sflag:s8], $0x400  }
0x1bb: {  	[sflag:s8] =	ssyncset.done $0x0  }
0x1bc: {  	[sflag:s8] =	ssyncadd.s32 $0xFFFFFC00  }
0x1bd: {  	_ =	swait.ge [sflag:s8], $0x400  }
0x1be: {  	[sflag:s8] =	ssyncset.done $0x0  }
0x1bf: {  	[sflag:s8] =	ssyncadd.s32 $0xFFFFFC00  }
0x1c0: {  	_ =	swait.ge [sflag:s8], $0x400  }
0x1c1: {  	[sflag:s8] =	ssyncset.done $0x0  }
0x1c2: {  	[sflag:s8] =	ssyncadd.s32 $0xFFFFFC00  }
0x1c3: {  	_ =	swait.ge [sflag:s8], $0x400  }
0x1c4: {  	[sflag:s8] =	ssyncset.done $0x0  }
0x1c5: {  	s7 =	simm.s32 @!p0 $0x6;
	[sflag:s8] =	ssyncadd.s32 $0xFFFFFC00  }
0x1c6: {  	_ =	swait.ge @!p0 [sflag:s7], $0x400  }
0x1c7: {  	[sflag:s7] =	ssyncset.done @!p0 $0x0  }
0x1c8: {  	s16 =	simm.s32 $0x0;
	[sflag:s7] =	ssyncadd.s32 @!p0 $0xFFFFFC00  }
0x1c9: {  	v2 =	vld [tilespmem:s16+$0xA400]  }
0x1ca: {  	v3 =	vld [tilespmem:s16+$0xA800]  }
0x1cb: {  	v5 =	vld [tilespmem:s16+$0xAC00];
	_ =	sdelay $0x2  }
0x1cc: {  	v4 =	vld [tilespmem:s16+$0x7800]  }
0x1cd: {  	v7 =	vld [tilespmem:s16+$0x7C00];
	v6 =	vmul.f32 v3, v2  }
0x1ce: {  	v8 =	vsub.f32 $1.000000000e+00, v3;
	v10 =	vsub.f32 $1.000000000e+00, v5  }
0x1cf: {  	v11 =	vld [tilespmem:s16+$0x8000];
	v9 =	vmul.f32 v5, v6  }
0x1d0: {  	s14 =	simm.s32 $0x10;
	v13 =	vld [tilespmem:s16+$0x8400];
	v12 =	vmul.f32 v8, v2;
	v6 =	vmul.f32 v10, v6  }
0x1d1: {  	v15 =	vld [tilespmem:s14+$0xA400];
	v14 =	vsub.f32 $1.000000000e+00, v2;
	v4 =	vmul.f32 v4, v9  }
0x1d2: {  	v16 =	vld [tilespmem:s14+$0xA800];
	v6 =	vmul.f32 v7, v6;
	v7 =	vmul.f32 v12, v5  }
0x1d3: {  	v3 =	vmul.f32 v3, v14;
	v9 =	vld [tilespmem:s16+$0x8800]  }
0x1d4: {  	v2 =	vld [tilespmem:s14+$0xAC00];
	v4 =	vadd.f32 v6, v4;
	v6 =	vmul.f32 v11, v7;
	v7 =	vmul.f32 v10, v12  }
0x1d5: {  	v14 =	vmul.f32 v8, v14;
	v11 =	vld [tilespmem:s16+$0x8C00]  }
0x1d6: {  	v17 =	vld [tilespmem:s16+$0x9000];
	v12 =	vmul.f32 v5, v3;
	v6 =	vadd.f32 v6, v4;
	v7 =	vmul.f32 v13, v7  }
0x1d7: {  	v18 =	vld [tilespmem:s14+$0x7800];
	v22 =	vmul.f32 v14, v5;
	v13 =	vmul.f32 v16, v15  }
0x1d8: {  	v19 =	vld [tilespmem:s14+$0x7C00];
	v6 =	vadd.f32 v7, v6;
	v7 =	vmul.f32 v9, v12;
	v12 =	vmul.f32 v10, v3  }
0x1d9: {  	v21 =	vld [tilespmem:s16+$0x9400];
	v23 =	vmul.f32 v10, v14;
	v4 =	vsub.f32 $1.000000000e+00, v16;
	v3 =	vsub.f32 $1.000000000e+00, v2  }
0x1da: {  	s18 =	simm.s32 $0x20;
	v20 =	vmul.f32 v2, v13;
	v9 =	vld [tilespmem:s14+$0x8000];
	v6 =	vadd.f32 v7, v6;
	v12 =	vmul.f32 v11, v12  }
0x1db: {  	v5 =	vld [tilespmem:s18+$0xA400];
	v8 =	vmul.f32 v4, v15;
	v7 =	vsub.f32 $1.000000000e+00, v15;
	v15 =	vmul.f32 v3, v13  }
0x1dc: {  	v17 =	vmul.f32 v17, v22;
	v11 =	vld [tilespmem:s14+$0x8400];
	v13 =	vmul.f32 v18, v20;
	v18 =	vadd.f32 v12, v6  }
0x1dd: {  	v6 =	vld [tilespmem:s18+$0xA800];
	v14 =	vmul.f32 v19, v15;
	v15 =	vmul.f32 v8, v2  }
0x1de: {  	s7 =	simm.s32 $0xC0;
	v10 =	vmul.f32 v16, v7;
	v12 =	vld [tilespmem:s14+$0x8800];
	v16 =	vadd.f32 v17, v18;
	v17 =	vmul.f32 v21, v23  }
.LBB2_13:
0x1df: {  	p0 =	sne.s32 s7, $0xFC0;
	v18 =	vld [tilespmem:s18+$0xAC00];
	v13 =	vadd.f32 v14, v13;
	v9 =	vmul.f32 v9, v15;
	v8 =	vmul.f32 v3, v8  }
0x1e0: {  	v14 =	vld [tilespmem:s14+$0x8C00];
	v15 =	vadd.f32 v17, v16  }
0x1e1: {  	v9 =	vadd.f32 v9, v13;
	v8 =	vmul.f32 v11, v8;
	v11 =	vmul.f32 v2, v10;
	v16 =	vld [tilespmem:s14+$0x9000]  }
0x1e2: {  	v19 =	vmul.f32 v4, v7;
	v13 =	vmul.f32 v6, v5;
	v17 =	vld [tilespmem:s18+$0x7800];
	v4 =	vsub.f32 $1.000000000e+00, v6;
	[tilespmem:s16+$0xB400] =	vst v15;
	v20 =	vmovc v6;
	s16 =	smov.u32 s14;
	s14 =	smov.u32 s18  }
0x1e3: {  	v10 =	vmul.f32 v3, v10;
	v15 =	vld [tilespmem:s14+$0x7C00];
	v6 =	vadd.f32 v8, v9;
	v7 =	vmul.f32 v12, v11  }
0x1e4: {  	v12 =	vsub.f32 $1.000000000e+00, v18;
	v8 =	vmul.f32 v4, v5;
	v21 =	vmul.f32 v18, v13;
	v22 =	vld [tilespmem:s16+$0x9400]  }
.Ltmp5:
0x1e5: {  	v9 =	vld [tilespmem:s14+$0x8000];
	v6 =	vadd.f32 v7, v6;
	v10 =	vmul.f32 v14, v10;
	v14 =	vmul.f32 v19, v2;
	v2 =	vmovc v18;
	(pc) =	sbr.rel @p0 .LBB2_13-.Ltmp5, $4  }
0x1e6: {  	s18 =	sshra.s32 s7, $0x2;
	v7 =	vsub.f32 $1.000000000e+00, v5;
	v19 =	vmul.f32 v3, v19;
	v18 =	vmul.f32 v12, v13;
	v11 =	vld [tilespmem:s14+$0x8400];
	v3 =	vmovc v12  }
0x1e7: {  	v5 =	vld [tilespmem:s18+$0xA400];
	v13 =	vmul.f32 v17, v21;
	v17 =	vadd.f32 v10, v6;
	v16 =	vmul.f32 v16, v14  }
0x1e8: {  	v6 =	vld [tilespmem:s18+$0xA800];
	v14 =	vmul.f32 v15, v18;
	v15 =	vmul.f32 v8, v2  }
0x1e9: {  	s7 =	sadd.s32 $0x40, s7;
	v10 =	vmul.f32 v20, v7;
	v12 =	vld [tilespmem:s14+$0x8800];
	v16 =	vadd.f32 v16, v17;
	v17 =	vmul.f32 v22, v19  }
0x1ea: {  	v18 =	vld [tilespmem:s18+$0xAC00];
	v13 =	vadd.f32 v14, v13;
	v9 =	vmul.f32 v9, v15;
	v8 =	vmul.f32 v3, v8  }
0x1eb: {  	v37 =	vld [tilespmem:s14+$0x8C00];
	v4 =	vmul.f32 v4, v7;
	v38 =	vadd.f32 v17, v16;
	v40 =	vmul.f32 v2, v10  }
0x1ec: {  	v39 =	vld [tilespmem:s14+$0x9000];
	v45 =	vmul.f32 v3, v10;
	v9 =	vadd.f32 v9, v13;
	v8 =	vmul.f32 v11, v8  }
0x1ed: {  	v41 =	vld [tilespmem:s18+$0x7800];
	v2 =	vmul.f32 v4, v2;
	v50 =	vsub.f32 $1.000000000e+00, v5;
	v3 =	vmul.f32 v3, v4;
	[tilespmem:s16+$0xB400] =	vst v38  }
0x1ee: {  	v42 =	vsub.f32 $1.000000000e+00, v6;
	v19 =	vmul.f32 v6, v5;
	v43 =	vld [tilespmem:s18+$0x7C00];
	v8 =	vadd.f32 v8, v9  }
0x1ef: {  	v44 =	vmul.f32 v12, v40;
	v20 =	vld [tilespmem:s14+$0x9400];
	v54 =	vmul.f32 v6, v50;
	v46 =	vsub.f32 $1.000000000e+00, v18  }
0x1f0: {  	v21 =	vld [tilespmem:s18+$0x8000];
	v47 =	vmul.f32 v42, v5;
	v48 =	vmul.f32 v18, v19  }
0x1f1: {  	v49 =	vmul.f32 v37, v45;
	v8 =	vadd.f32 v44, v8;
	v51 =	vmul.f32 v46, v19  }
0x1f2: {  	v52 =	vld [tilespmem:s18+$0x8400];
	v2 =	vmul.f32 v39, v2;
	v13 =	vmul.f32 v41, v48  }
0x1f3: {  	v53 =	vmul.f32 v47, v18;
	v8 =	vadd.f32 v49, v8;
	v7 =	vmul.f32 v43, v51  }
0x1f4: {  	v55 =	vld [tilespmem:s18+$0x8800];
	v57 =	vmul.f32 v46, v47;
	v3 =	vmul.f32 v20, v3  }
0x1f5: {  	v56 =	vmul.f32 v21, v53;
	v2 =	vadd.f32 v2, v8;
	v7 =	vadd.f32 v7, v13  }
0x1f6: {  	v58 =	vld [tilespmem:s18+$0x8C00];
	v59 =	vmul.f32 v18, v54  }
0x1f7: {  	v4 =	vmul.f32 v52, v57;
	v2 =	vadd.f32 v3, v2;
	v3 =	vadd.f32 v56, v7  }
0x1f8: {  	v60 =	vld [tilespmem:s18+$0x9000];
	v5 =	vmul.f32 v42, v50  }
0x1f9: {  	v61 =	vmul.f32 v46, v54;
	[tilespmem:s14+$0xB400] =	vst v2;
	v2 =	vadd.f32 v4, v3;
	v3 =	vmul.f32 v55, v59  }
0x1fa: {  	v62 =	vld [tilespmem:s18+$0x9400]  }
0x1fb: {  	v63 =	vmul.f32 v5, v18;
	v2 =	vadd.f32 v3, v2;
	v3 =	vmul.f32 v58, v61;
	_ =	sdelay $0x1  }
0x1fc: {  	v5 =	vmul.f32 v46, v5;
	v2 =	vadd.f32 v3, v2;
	v3 =	vmul.f32 v60, v63  }
0x1fd: {  	s10 =	sadd.s32 $0x1, s10  }
0x1fe: {  	p0 =	sne.s32 s10, $0x40;
	v2 =	vadd.f32 v3, v2;
	v3 =	vmul.f32 v62, v5  }
.Ltmp6:
0x1ff: {  	_ = 	snop;
	(pc) =	sbr.rel @p0 .LBB2_4-.Ltmp6, $4  }
0x200: {  	v2 =	vadd.f32 v3, v2  }
0x201: {  	s7 =	sshrl.u32 s15, $0x3  }
0x202: {  	s12 =	sadd.s32 $0x800, s12;
	s11 =	sadd.s32 $0x800, s11;
	s7 =	sadd.s32 s5, s7;
	[tilespmem:s18+$0xB400] =	vst v2  }
0x203: {  	[hbm4b:s7+s6] =	stream.linear.scatter [tilespmem:s9], [sflag:$0x6], $0x400, $0x38;
	[tilespmem:$0xB800] =	vst v63  }
0x204: {  	s7 =	simm.s32 $0x5  }
0x205: {  	_ =	swait.ge [sflag:s7], $0x400  }
0x206: {  	[sflag:s7] =	ssyncset.done $0x0  }
0x207: {  	s10 =	simm.s32 $0x6;
	[sflag:s7] =	ssyncadd.s32 $0xFFFFFC00  }
0x208: {  	_ =	swait.ge [sflag:s10], $0x400  }
0x209: {  	s11 =	rddreg [dreg:$0x11]  }
0x20a: {  	s19 =	rddreg [dreg:$0xd];
	s11 =	sadd.s32 $0x1, s11  }
0x20b: {  	p0 =	sne.s32 s11, s19  }
.Ltmp7:
0x20c: {  	_ = 	snop;
	(pc) =	sbr.rel @p0 .LBB2_1-.Ltmp7, $3  }
0x20d: {  	_ =	sdelay $0x1  }
0x20e: {  	[sflag:s10] =	ssyncset.done $0x0  }
0x20f: {  	s14 =	simm.s32 $0x800;
	[sflag:s10] =	ssyncadd.s32 $0xFFFFFC00  }
0x210: {  	_ =	sfence.sel $0x180000  }
0x211: {  	[bflag:$0x0] =	sbarrier.arrive $0xFFFF  }
0x212: {  	_ =	strace $0x90000047  }
0x213: {  	s0 =	stileid.u32;
	[bflag:$0x2] =	sbarrier.arrive $0xFFFF  }
0x214: {  	p0 =	sne.s32 s0, $0x0;
	s0 =	rddreg [dreg:$0x3]  }
0x215: {  	s0 =	sadd.s32 @!p0 $0x100000, s0  }
0x216: {  	[sflag:s0] =	ssyncadd.tile.s32 @!p0 $0x1;
	_ =	shalt  }
.Lfunc_end2:
_tile_overlayer_lowered:
.L_overlay_start_2:
0x217: {  	(tag) =	ssettag $0x2  }
0x218: {  	s0 =	rddreg [dreg:$0x0];
	s2 =	stileid.u32  }
0x219: {  	s1 =	rddreg [dreg:$0x1];
	p0 =	sne.s32 s2, $0x0  }
0x21a: {  	s3 =	rddreg [dreg:$0x2];
	[bflag:$0x3] =	sbarrier.arrive $0xFFFF;
	s2 =	simm.s32 @!p0 $0x1C07  }
0x21b: {  	[timem:s3], [sflag:s2] =	dma.local @!p0 [hbm:s0], s1  }
0x21c: {  	s0 =	simm.s32 @!p0 $0x7  }
0x21d: {  	_ =	swait.ge @!p0 [sflag:s0], s1  }
0x21e: {  	s1 =	ssub.s32 @!p0 $0x0, s1;
	[sflag:s0] =	ssyncset.done @!p0 $0x0  }
0x21f: {  	[sflag:s0] =	ssyncadd.s32 @!p0 s1  }
0x220: {  	[bflag:$0x3] =	sbarrier.arrive $0xFFFF  }
0x221: {  	_ =	shalt  }

</sc_bundles>
